<compile_context>
chip_gen: v7x
topology: tpu7x:2x2x1
jax: 0.10.2.dev20260603
libtpu: 0.0.44.dev20260713+nightly
codegen_flags: <defaults>
</compile_context>

<pallas_src>
import jax
import jax.numpy as jnp
from jax import lax
from jax.experimental import pallas as pl
from jax.experimental.pallas import tpu as pltpu
from jax.experimental.pallas import tpu_sc as plsc

D_MODEL = 64
SCALE = 8.0

NC = 2
NS = 16
NW = NC * NS

A = 4096
T = 200
AB = A // NW
PER_W = AB * T
NBUF = 2
VP = 500000


def _body(x_hbm, table_hbm, out_hbm, pidx, rows, cbuf, gsem, dsem):
    wid = lax.axis_index("s") * NC + lax.axis_index("c")
    iota = lax.iota(jnp.int32, 16)
    tt = table_hbm

    pltpu.sync_copy(x_hbm.at[pl.ds(wid * PER_W, PER_W)], pidx)

    def fire_gather(al, b):
        o = al * T
        pltpu.async_copy(tt.at[pidx.at[pl.ds(o, 128)]],
                         rows.at[b, pl.ds(0, 128)], gsem.at[b])
        pltpu.async_copy(tt.at[pidx.at[pl.ds(o + 128, T - 128)]],
                         rows.at[b, pl.ds(128, T - 128)], gsem.at[b])

    def wait_gather(b):
        pltpu.make_async_copy(tt.at[pl.ds(0, T)], rows.at[b], gsem.at[b]).wait()

    def fire_drain(al, b):
        aq = (wid * AB + al) // 8
        a8 = (wid * AB + al) % 8
        pltpu.async_copy(cbuf.at[b], out_hbm.at[aq, :, a8], dsem.at[b])

    def wait_drain(b):
        pltpu.make_async_copy(cbuf.at[b], out_hbm.at[0, :, 0], dsem.at[b]).wait()

    for b in range(NBUF - 1):
        fire_gather(b, b)

    def sel_one(b, j, row, crow_base, crow_off):
        for s in range(D_MODEL // 16):
            v = rows[b, row, pl.ds(s * 16, 16)]
            q = crow_off + s
            cbuf[b, crow_base + q // 8, pl.ds((q % 8) * 16, 16)] = v * SCALE

    def outer(g, carry):
        for b in range(NBUF):
            al = g * NBUF + b
            bn = (b + NBUF - 1) % NBUF

            @pl.when(al + NBUF - 1 < AB)
            def _():
                fire_gather(al + NBUF - 1, bn)

            wait_gather(b)

            @pl.when(al >= NBUF)
            def _():
                wait_drain(b)

            def grp_loop(grp, carry2):
                for j in range(8):
                    sel_one(b, j, grp * 8 + j, grp * 4, 4 * j)
                return carry2

            lax.fori_loop(0, T // 8, grp_loop, 0)

            fire_drain(al, b)
        return carry

    lax.fori_loop(0, AB // NBUF, outer, 0)
    for b in range(NBUF):
        wait_drain(b)


@jax.jit
def _run(xf, table):
    mesh = plsc.VectorSubcoreMesh(core_axis_name="c", subcore_axis_name="s")
    f = pl.kernel(
        _body,
        mesh=mesh,
        out_type=jax.ShapeDtypeStruct((A // 8, T * D_MODEL // 128, 8, 128), jnp.float32),
        scratch_types=[
            pltpu.VMEM((PER_W,), jnp.int32),
            pltpu.VMEM((NBUF, T, D_MODEL), jnp.float32),
            pltpu.VMEM((NBUF, T * D_MODEL // 128, 128), jnp.float32),
            pltpu.SemaphoreType.DMA((NBUF,)),
            pltpu.SemaphoreType.DMA((NBUF,)),
        ],
        compiler_params=pltpu.CompilerParams(
            use_tc_tiling_on_sc=False, needs_layout_passes=False
        ),
    )
    return f(xf, table)


def kernel(x, table):
    out4 = _run(x.reshape(A * T).astype(jnp.int32), table)
    return out4.transpose(0, 2, 1, 3).reshape(A, T, D_MODEL)

# --- scband reference (transcript-rebuilt; emitter-appended) ---
"""Pipeline reference for scband-word-embeddings-4982162063950 (READ-ONLY COPY).

The authoritative reference and input builder live on the scoring server;
editing this copy changes nothing except your own understanding.
"""

import jax, jax.numpy as jnp
import numpy as np

D_MODEL = 64
VOCAB_SIZE = 1000000

def setup_inputs(seed: int = 0) -> dict:
    key = jax.random.key(seed)
    k1, k2 = jax.random.split(key)
    x = jax.random.randint(k1, (4096, 200), 0, VOCAB_SIZE, dtype=jnp.int64 if jax.config.read('jax_enable_x64') else jnp.int32)
    table = jax.random.normal(k2, (VOCAB_SIZE, D_MODEL), dtype=jnp.float32)
    return {"x": x, "table": table}

def reference(x, table):
    # nn.Embedding lookup followed by sqrt(d_model) scaling
    emb = jnp.take(table, x, axis=0)
    scale = jnp.sqrt(jnp.asarray(D_MODEL, dtype=jnp.float32))
    return emb * scale

if __name__ == "__main__":
    import jax
    _d = setup_inputs()
    print(jax.jit(kernel)(*tuple(_d.values())))

</pallas_src>

<mosaic_0001>
#map = affine_map<(d0, d1) -> (0)>
#map1 = affine_map<(d0, d1) -> (0, 0)>
#map2 = affine_map<(d0, d1) -> (0, 0, 0, 0)>
module attributes {stable_mosaic.version = 14 : i64} {
  func.func @_body(%arg0: i32, %arg1: i32, %arg2: memref<819200xi32, #tpu.memory_space<hbm>>, %arg3: memref<1000000x64xf32, #tpu.memory_space<hbm>>, %arg4: memref<512x100x8x128xf32, #tpu.memory_space<hbm>>, %arg5: memref<25600xi32, #tpu.memory_space<vmem>>, %arg6: memref<2x200x64xf32, #tpu.memory_space<vmem>>, %arg7: memref<2x100x128xf32, #tpu.memory_space<vmem>>, %arg8: memref<2x!tpu.dma_semaphore, #tpu.memory_space<semaphore_mem>>, %arg9: memref<2x!tpu.dma_semaphore, #tpu.memory_space<semaphore_mem>>) attributes {dimension_semantics = [#tpu.dimension_semantics<core_parallel>, #tpu.dimension_semantics<subcore_parallel>], iteration_bounds = array<i64: 2, 16>, scalar_prefetch = 0 : i64, scratch_operands = 5 : i64, tpu.core_type = #tpu.core_type<sc_vector_subcore>, window_params = [{transform_indices = #map}, {transform_indices = #map1}, {transform_indices = #map2}]} {
    %mul3A = arith.constant 2 : i32
    %mul3A_0 = arith.muli %arg1, %mul3A : i32
    %add3A = arith.addi %mul3A_0, %arg0 : i32
    %iota3A = tpu.iota {dimensions = array<i32: 0>} : vector<16xi32>
    %mul3A_1 = arith.constant 25600 : i32
    %mul3A_2 = arith.muli %add3A, %mul3A_1 : i32
    "tpu.region"() ({
      %run_scoped3A = tpu.sem_alloc : memref<!tpu.dma_semaphore, #tpu.memory_space<semaphore_mem>>
      %dma_start3A_76 = tpu.memref_slice %arg2[%mul3A_2] : memref<819200xi32, #tpu.memory_space<hbm>> -> memref<25600xi32, #tpu.memory_space<hbm>>
      %dma_start3A_77 = tpu.memref_slice %arg2[%mul3A_2] : memref<819200xi32, #tpu.memory_space<hbm>> -> memref<25600xi32, #tpu.memory_space<hbm>>
      tpu.enqueue_dma source(%dma_start3A_77 : memref<25600xi32, #tpu.memory_space<hbm>>) target(%arg5 : memref<25600xi32, #tpu.memory_space<vmem>>) target_semaphore(%run_scoped3A : memref<!tpu.dma_semaphore, #tpu.memory_space<semaphore_mem>>)
      %dma_wait3A_78 = tpu.memref_slice %arg2[%mul3A_2] : memref<819200xi32, #tpu.memory_space<hbm>> -> memref<25600xi32, #tpu.memory_space<hbm>>
      %dma_wait3A_79 = tpu.memref_slice %arg2[%mul3A_2] : memref<819200xi32, #tpu.memory_space<hbm>> -> memref<25600xi32, #tpu.memory_space<hbm>>
      tpu.wait_dma2 semaphore(%run_scoped3A : memref<!tpu.dma_semaphore, #tpu.memory_space<semaphore_mem>>) src(%dma_wait3A_79 : memref<25600xi32, #tpu.memory_space<hbm>>) dst(%arg5 : memref<25600xi32, #tpu.memory_space<vmem>>)
      tpu.yield
    }) : () -> ()
    %dma_start3A = arith.constant 0 : i32
    %dma_start3A_3 = arith.constant 0 : i32
    %dma_start3A_4 = arith.constant 0 : i32
    %dma_start3A_5 = arith.constant 0 : i32
    %dma_start3A_6 = tpu.memref_slice %arg6[%dma_start3A, %dma_start3A_4, %dma_start3A_5] : memref<2x200x64xf32, #tpu.memory_space<vmem>> -> memref<1x128x64xf32, #tpu.memory_space<vmem>>
    %dma_start3A_7 = tpu.memref_squeeze %dma_start3A_6 : memref<1x128x64xf32, #tpu.memory_space<vmem>> -> memref<128x64xf32, #tpu.memory_space<vmem>>
    %dma_start3A_8 = arith.constant 0 : i32
    %dma_start3A_9 = tpu.memref_slice %arg5[%dma_start3A_8] : memref<25600xi32, #tpu.memory_space<vmem>> -> memref<128xi32, #tpu.memory_space<vmem>>
    %dma_start3A_10 = arith.constant 0 : i32
    %dma_start3A_11 = arith.constant 0 : i32
    %dma_start3A_12 = tpu.memref_slice %arg3[%dma_start3A_10, %dma_start3A_11] : memref<1000000x64xf32, #tpu.memory_space<hbm>> -> memref<1000000x64xf32, #tpu.memory_space<hbm>>
    %dma_start3A_13 = tpu.memref_slice %arg8[%dma_start3A_3] : memref<2x!tpu.dma_semaphore, #tpu.memory_space<semaphore_mem>> -> memref<1x!tpu.dma_semaphore, #tpu.memory_space<semaphore_mem>>
    %dma_start3A_14 = tpu.memref_squeeze %dma_start3A_13 : memref<1x!tpu.dma_semaphore, #tpu.memory_space<semaphore_mem>> -> memref<!tpu.dma_semaphore, #tpu.memory_space<semaphore_mem>>
    tpu.enqueue_indirect_dma source(%dma_start3A_12 : memref<1000000x64xf32, #tpu.memory_space<hbm>>) target(%dma_start3A_7 : memref<128x64xf32, #tpu.memory_space<vmem>>) offsets(%dma_start3A_9 : memref<128xi32, #tpu.memory_space<vmem>>) semaphore(%dma_start3A_14 : memref<!tpu.dma_semaphore, #tpu.memory_space<semaphore_mem>>)
    %dma_start3A_15 = arith.constant 0 : i32
    %dma_start3A_16 = arith.constant 0 : i32
    %dma_start3A_17 = arith.constant 128 : i32
    %dma_start3A_18 = arith.constant 0 : i32
    %dma_start3A_19 = tpu.memref_slice %arg6[%dma_start3A_15, %dma_start3A_17, %dma_start3A_18] : memref<2x200x64xf32, #tpu.memory_space<vmem>> -> memref<1x72x64xf32, #tpu.memory_space<vmem>>
    %dma_start3A_20 = tpu.memref_squeeze %dma_start3A_19 : memref<1x72x64xf32, #tpu.memory_space<vmem>> -> memref<72x64xf32, #tpu.memory_space<vmem>>
    %dma_start3A_21 = arith.constant 128 : i32
    %dma_start3A_22 = tpu.memref_slice %arg5[%dma_start3A_21] : memref<25600xi32, #tpu.memory_space<vmem>> -> memref<72xi32, #tpu.memory_space<vmem>>
    %dma_start3A_23 = arith.constant 0 : i32
    %dma_start3A_24 = arith.constant 0 : i32
    %dma_start3A_25 = tpu.memref_slice %arg3[%dma_start3A_23, %dma_start3A_24] : memref<1000000x64xf32, #tpu.memory_space<hbm>> -> memref<1000000x64xf32, #tpu.memory_space<hbm>>
    %dma_start3A_26 = tpu.memref_slice %arg8[%dma_start3A_16] : memref<2x!tpu.dma_semaphore, #tpu.memory_space<semaphore_mem>> -> memref<1x!tpu.dma_semaphore, #tpu.memory_space<semaphore_mem>>
    %dma_start3A_27 = tpu.memref_squeeze %dma_start3A_26 : memref<1x!tpu.dma_semaphore, #tpu.memory_space<semaphore_mem>> -> memref<!tpu.dma_semaphore, #tpu.memory_space<semaphore_mem>>
    tpu.enqueue_indirect_dma source(%dma_start3A_25 : memref<1000000x64xf32, #tpu.memory_space<hbm>>) target(%dma_start3A_20 : memref<72x64xf32, #tpu.memory_space<vmem>>) offsets(%dma_start3A_22 : memref<72xi32, #tpu.memory_space<vmem>>) semaphore(%dma_start3A_27 : memref<!tpu.dma_semaphore, #tpu.memory_space<semaphore_mem>>)
    %scan3A = arith.constant 0 : i32
    %scan3A_28 = arith.constant 0 : i32
    %scan3A_29 = arith.constant 64 : i32
    %scan3A_30 = arith.addi %scan3A_28, %scan3A_29 : i32
    %scan3A_31 = arith.constant 1 : i32
    scf.for %scan3A_76 = %scan3A_28 to %scan3A_30 step %scan3A_31  : i32 {
      %mul3A_77 = arith.constant 2 : i32
      %mul3A_78 = arith.muli %scan3A_76, %mul3A_77 : i32
      %add3A_79 = arith.constant 0 : i32
      %add3A_80 = arith.addi %mul3A_78, %add3A_79 : i32
      %add3A_81 = arith.constant 2 : i32
      %add3A_82 = arith.addi %add3A_80, %add3A_81 : i32
      %sub3A = arith.constant 1 : i32
      %sub3A_83 = arith.subi %add3A_82, %sub3A : i32
      %lt3A = arith.constant 128 : i32
      %lt3A_84 = arith.cmpi slt, %sub3A_83, %lt3A : i32
      %convert_element_type3A = arith.extui %lt3A_84 : i1 to i32
      %cond3A = arith.constant 0 : i32
      %cond3A_85 = arith.cmpi ne, %convert_element_type3A, %cond3A : i32
      scf.if %cond3A_85 {
        %add3A_280 = arith.constant 2 : i32
        %add3A_281 = arith.addi %add3A_80, %add3A_280 : i32
        %sub3A_282 = arith.constant 1 : i32
        %sub3A_283 = arith.subi %add3A_281, %sub3A_282 : i32
        %mul3A_284 = arith.constant 200 : i32
        %mul3A_285 = arith.muli %sub3A_283, %mul3A_284 : i32
        %dma_start3A_286 = arith.constant 1 : i32
        %dma_start3A_287 = arith.constant 1 : i32
        %dma_start3A_288 = arith.constant 0 : i32
        %dma_start3A_289 = arith.constant 0 : i32
        %dma_start3A_290 = tpu.memref_slice %arg6[%dma_start3A_286, %dma_start3A_288, %dma_start3A_289] : memref<2x200x64xf32, #tpu.memory_space<vmem>> -> memref<1x128x64xf32, #tpu.memory_space<vmem>>
        %dma_start3A_291 = tpu.memref_squeeze %dma_start3A_290 : memref<1x128x64xf32, #tpu.memory_space<vmem>> -> memref<128x64xf32, #tpu.memory_space<vmem>>
        %dma_start3A_292 = tpu.memref_slice %arg5[%mul3A_285] : memref<25600xi32, #tpu.memory_space<vmem>> -> memref<128xi32, #tpu.memory_space<vmem>>
        %dma_start3A_293 = arith.constant 0 : i32
        %dma_start3A_294 = arith.constant 0 : i32
        %dma_start3A_295 = tpu.memref_slice %arg3[%dma_start3A_293, %dma_start3A_294] : memref<1000000x64xf32, #tpu.memory_space<hbm>> -> memref<1000000x64xf32, #tpu.memory_space<hbm>>
        %dma_start3A_296 = tpu.memref_slice %arg8[%dma_start3A_287] : memref<2x!tpu.dma_semaphore, #tpu.memory_space<semaphore_mem>> -> memref<1x!tpu.dma_semaphore, #tpu.memory_space<semaphore_mem>>
        %dma_start3A_297 = tpu.memref_squeeze %dma_start3A_296 : memref<1x!tpu.dma_semaphore, #tpu.memory_space<semaphore_mem>> -> memref<!tpu.dma_semaphore, #tpu.memory_space<semaphore_mem>>
        tpu.enqueue_indirect_dma source(%dma_start3A_295 : memref<1000000x64xf32, #tpu.memory_space<hbm>>) target(%dma_start3A_291 : memref<128x64xf32, #tpu.memory_space<vmem>>) offsets(%dma_start3A_292 : memref<128xi32, #tpu.memory_space<vmem>>) semaphore(%dma_start3A_297 : memref<!tpu.dma_semaphore, #tpu.memory_space<semaphore_mem>>)
        %add3A_298 = arith.constant 128 : i32
        %add3A_299 = arith.addi %mul3A_285, %add3A_298 : i32
        %dma_start3A_300 = arith.constant 1 : i32
        %dma_start3A_301 = arith.constant 1 : i32
        %dma_start3A_302 = arith.constant 128 : i32
        %dma_start3A_303 = arith.constant 0 : i32
        %dma_start3A_304 = tpu.memref_slice %arg6[%dma_start3A_300, %dma_start3A_302, %dma_start3A_303] : memref<2x200x64xf32, #tpu.memory_space<vmem>> -> memref<1x72x64xf32, #tpu.memory_space<vmem>>
        %dma_start3A_305 = tpu.memref_squeeze %dma_start3A_304 : memref<1x72x64xf32, #tpu.memory_space<vmem>> -> memref<72x64xf32, #tpu.memory_space<vmem>>
        %dma_start3A_306 = tpu.memref_slice %arg5[%add3A_299] : memref<25600xi32, #tpu.memory_space<vmem>> -> memref<72xi32, #tpu.memory_space<vmem>>
        %dma_start3A_307 = arith.constant 0 : i32
        %dma_start3A_308 = arith.constant 0 : i32
        %dma_start3A_309 = tpu.memref_slice %arg3[%dma_start3A_307, %dma_start3A_308] : memref<1000000x64xf32, #tpu.memory_space<hbm>> -> memref<1000000x64xf32, #tpu.memory_space<hbm>>
        %dma_start3A_310 = tpu.memref_slice %arg8[%dma_start3A_301] : memref<2x!tpu.dma_semaphore, #tpu.memory_space<semaphore_mem>> -> memref<1x!tpu.dma_semaphore, #tpu.memory_space<semaphore_mem>>
        %dma_start3A_311 = tpu.memref_squeeze %dma_start3A_310 : memref<1x!tpu.dma_semaphore, #tpu.memory_space<semaphore_mem>> -> memref<!tpu.dma_semaphore, #tpu.memory_space<semaphore_mem>>
        tpu.enqueue_indirect_dma source(%dma_start3A_309 : memref<1000000x64xf32, #tpu.memory_space<hbm>>) target(%dma_start3A_305 : memref<72x64xf32, #tpu.memory_space<vmem>>) offsets(%dma_start3A_306 : memref<72xi32, #tpu.memory_space<vmem>>) semaphore(%dma_start3A_311 : memref<!tpu.dma_semaphore, #tpu.memory_space<semaphore_mem>>)
      } else {
      }
      %dma_wait3A_86 = arith.constant 0 : i32
      %dma_wait3A_87 = arith.constant 0 : i32
      %dma_wait3A_88 = arith.constant 0 : i32
      %dma_wait3A_89 = arith.constant 0 : i32
      %dma_wait3A_90 = tpu.memref_slice %arg6[%dma_wait3A_86, %dma_wait3A_88, %dma_wait3A_89] : memref<2x200x64xf32, #tpu.memory_space<vmem>> -> memref<1x200x64xf32, #tpu.memory_space<vmem>>
      %dma_wait3A_91 = tpu.memref_squeeze %dma_wait3A_90 : memref<1x200x64xf32, #tpu.memory_space<vmem>> -> memref<200x64xf32, #tpu.memory_space<vmem>>
      %dma_wait3A_92 = arith.constant 0 : i32
      %dma_wait3A_93 = arith.constant 0 : i32
      %dma_wait3A_94 = tpu.memref_slice %arg3[%dma_wait3A_92, %dma_wait3A_93] : memref<1000000x64xf32, #tpu.memory_space<hbm>> -> memref<200x64xf32, #tpu.memory_space<hbm>>
      %dma_wait3A_95 = tpu.memref_slice %arg8[%dma_wait3A_87] : memref<2x!tpu.dma_semaphore, #tpu.memory_space<semaphore_mem>> -> memref<1x!tpu.dma_semaphore, #tpu.memory_space<semaphore_mem>>
      %dma_wait3A_96 = tpu.memref_squeeze %dma_wait3A_95 : memref<1x!tpu.dma_semaphore, #tpu.memory_space<semaphore_mem>> -> memref<!tpu.dma_semaphore, #tpu.memory_space<semaphore_mem>>
      %dma_wait3A_97 = arith.constant 0 : i32
      %dma_wait3A_98 = arith.constant 0 : i32
      %dma_wait3A_99 = tpu.memref_slice %arg6[%dma_wait3A_86, %dma_wait3A_97, %dma_wait3A_98] : memref<2x200x64xf32, #tpu.memory_space<vmem>> -> memref<1x200x64xf32, #tpu.memory_space<vmem>>
      %dma_wait3A_100 = tpu.memref_squeeze %dma_wait3A_99 : memref<1x200x64xf32, #tpu.memory_space<vmem>> -> memref<200x64xf32, #tpu.memory_space<vmem>>
      %dma_wait3A_101 = arith.constant 0 : i32
      %dma_wait3A_102 = arith.constant 0 : i32
      %dma_wait3A_103 = tpu.memref_slice %arg3[%dma_wait3A_101, %dma_wait3A_102] : memref<1000000x64xf32, #tpu.memory_space<hbm>> -> memref<200x64xf32, #tpu.memory_space<hbm>>
      tpu.wait_dma2 semaphore(%dma_wait3A_96 : memref<!tpu.dma_semaphore, #tpu.memory_space<semaphore_mem>>) src(%dma_wait3A_103 : memref<200x64xf32, #tpu.memory_space<hbm>>) dst(%dma_wait3A_100 : memref<200x64xf32, #tpu.memory_space<vmem>>)
      %ge3A = arith.constant 2 : i32
      %ge3A_104 = arith.cmpi sge, %add3A_80, %ge3A : i32
      %convert_element_type3A_105 = arith.extui %ge3A_104 : i1 to i32
      %cond3A_106 = arith.constant 0 : i32
      %cond3A_107 = arith.cmpi ne, %convert_element_type3A_105, %cond3A_106 : i32
      scf.if %cond3A_107 {
        %dma_wait3A_280 = arith.constant 0 : i32
        %dma_wait3A_281 = arith.constant 0 : i32
        %dma_wait3A_282 = arith.constant 0 : i32
        %dma_wait3A_283 = arith.constant 0 : i32
        %dma_wait3A_284 = arith.constant 0 : i32
        %dma_wait3A_285 = arith.constant 0 : i32
        %dma_wait3A_286 = tpu.memref_slice %arg7[%dma_wait3A_280, %dma_wait3A_284, %dma_wait3A_285] : memref<2x100x128xf32, #tpu.memory_space<vmem>> -> memref<1x100x128xf32, #tpu.memory_space<vmem>>
        %dma_wait3A_287 = tpu.memref_squeeze %dma_wait3A_286 : memref<1x100x128xf32, #tpu.memory_space<vmem>> -> memref<100x128xf32, #tpu.memory_space<vmem>>
        %dma_wait3A_288 = arith.constant 0 : i32
        %dma_wait3A_289 = arith.constant 0 : i32
        %dma_wait3A_290 = tpu.memref_slice %arg4[%dma_wait3A_281, %dma_wait3A_288, %dma_wait3A_282, %dma_wait3A_289] : memref<512x100x8x128xf32, #tpu.memory_space<hbm>> -> memref<1x100x1x128xf32, #tpu.memory_space<hbm>>
        %dma_wait3A_291 = tpu.memref_squeeze %dma_wait3A_290 : memref<1x100x1x128xf32, #tpu.memory_space<hbm>> -> memref<100x128xf32, #tpu.memory_space<hbm>>
        %dma_wait3A_292 = tpu.memref_slice %arg9[%dma_wait3A_283] : memref<2x!tpu.dma_semaphore, #tpu.memory_space<semaphore_mem>> -> memref<1x!tpu.dma_semaphore, #tpu.memory_space<semaphore_mem>>
        %dma_wait3A_293 = tpu.memref_squeeze %dma_wait3A_292 : memref<1x!tpu.dma_semaphore, #tpu.memory_space<semaphore_mem>> -> memref<!tpu.dma_semaphore, #tpu.memory_space<semaphore_mem>>
        %dma_wait3A_294 = arith.constant 0 : i32
        %dma_wait3A_295 = arith.constant 0 : i32
        %dma_wait3A_296 = tpu.memref_slice %arg4[%dma_wait3A_281, %dma_wait3A_294, %dma_wait3A_282, %dma_wait3A_295] : memref<512x100x8x128xf32, #tpu.memory_space<hbm>> -> memref<1x100x1x128xf32, #tpu.memory_space<hbm>>
        %dma_wait3A_297 = tpu.memref_squeeze %dma_wait3A_296 : memref<1x100x1x128xf32, #tpu.memory_space<hbm>> -> memref<100x128xf32, #tpu.memory_space<hbm>>
        %dma_wait3A_298 = arith.constant 0 : i32
        %dma_wait3A_299 = arith.constant 0 : i32
        %dma_wait3A_300 = tpu.memref_slice %arg7[%dma_wait3A_280, %dma_wait3A_298, %dma_wait3A_299] : memref<2x100x128xf32, #tpu.memory_space<vmem>> -> memref<1x100x128xf32, #tpu.memory_space<vmem>>
        %dma_wait3A_301 = tpu.memref_squeeze %dma_wait3A_300 : memref<1x100x128xf32, #tpu.memory_space<vmem>> -> memref<100x128xf32, #tpu.memory_space<vmem>>
        tpu.wait_dma2 semaphore(%dma_wait3A_293 : memref<!tpu.dma_semaphore, #tpu.memory_space<semaphore_mem>>) src(%dma_wait3A_301 : memref<100x128xf32, #tpu.memory_space<vmem>>) dst(%dma_wait3A_297 : memref<100x128xf32, #tpu.memory_space<hbm>>)
      } else {
      }
      %scan3A_108 = arith.constant 0 : i32
      %scan3A_109 = arith.constant 0 : i32
      %scan3A_110 = arith.constant 25 : i32
      %scan3A_111 = arith.addi %scan3A_109, %scan3A_110 : i32
      %scan3A_112 = arith.constant 1 : i32
      scf.for %scan3A_280 = %scan3A_109 to %scan3A_111 step %scan3A_112  : i32 {
        %mul3A_281 = arith.constant 8 : i32
        %mul3A_282 = arith.muli %scan3A_280, %mul3A_281 : i32
        %add3A_283 = arith.constant 0 : i32
        %add3A_284 = arith.addi %mul3A_282, %add3A_283 : i32
        %mul3A_285 = arith.constant 4 : i32
        %mul3A_286 = arith.muli %scan3A_280, %mul3A_285 : i32
        %get3A = arith.constant 0 : i32
        %get3A_287 = arith.index_cast %get3A : i32 to index
        %get3A_288 = arith.index_cast %add3A_284 : i32 to index
        %get3A_289 = arith.constant 0 : index
        %get3A_290 = tpu.vector_load %arg6[%get3A_287, %get3A_288, %get3A_289] {strides = array<i32>} : memref<2x200x64xf32, #tpu.memory_space<vmem>>, vector<16xf32>,
        %mul3A_291 = arith.constant 8.000000e+00 : f32
        %mul3A_292 = vector.broadcast %mul3A_291 : f32 to vector<16xf32>
        %mul3A_293 = arith.mulf %get3A_290, %mul3A_292 : vector<16xf32>
        %add3A_294 = arith.constant 0 : i32
        %add3A_295 = arith.addi %mul3A_286, %add3A_294 : i32
        %swap3A = arith.constant 0 : i32
        %swap3A_296 = arith.index_cast %swap3A : i32 to index
        %swap3A_297 = arith.index_cast %add3A_295 : i32 to index
        %swap3A_298 = arith.constant 0 : index
        %swap3A_299 = tpu.vector_load %arg7[%swap3A_296, %swap3A_297, %swap3A_298] {strides = array<i32>} : memref<2x100x128xf32, #tpu.memory_space<vmem>>, vector<16xf32>,
        tpu.vector_store %arg7[%swap3A_296, %swap3A_297, %swap3A_298], %mul3A_293 {strides = array<i32>} : memref<2x100x128xf32, #tpu.memory_space<vmem>>, vector<16xf32>,
        %get3A_300 = arith.constant 0 : i32
        %get3A_301 = arith.index_cast %get3A_300 : i32 to index
        %get3A_302 = arith.index_cast %add3A_284 : i32 to index
        %get3A_303 = arith.constant 16 : index
        %get3A_304 = tpu.vector_load %arg6[%get3A_301, %get3A_302, %get3A_303] {strides = array<i32>} : memref<2x200x64xf32, #tpu.memory_space<vmem>>, vector<16xf32>,
        %mul3A_305 = arith.constant 8.000000e+00 : f32
        %mul3A_306 = vector.broadcast %mul3A_305 : f32 to vector<16xf32>
        %mul3A_307 = arith.mulf %get3A_304, %mul3A_306 : vector<16xf32>
        %add3A_308 = arith.constant 0 : i32
        %add3A_309 = arith.addi %mul3A_286, %add3A_308 : i32
        %swap3A_310 = arith.constant 0 : i32
        %swap3A_311 = arith.index_cast %swap3A_310 : i32 to index
        %swap3A_312 = arith.index_cast %add3A_309 : i32 to index
        %swap3A_313 = arith.constant 16 : index
        %swap3A_314 = tpu.vector_load %arg7[%swap3A_311, %swap3A_312, %swap3A_313] {strides = array<i32>} : memref<2x100x128xf32, #tpu.memory_space<vmem>>, vector<16xf32>,
        tpu.vector_store %arg7[%swap3A_311, %swap3A_312, %swap3A_313], %mul3A_307 {strides = array<i32>} : memref<2x100x128xf32, #tpu.memory_space<vmem>>, vector<16xf32>,
        %get3A_315 = arith.constant 0 : i32
        %get3A_316 = arith.index_cast %get3A_315 : i32 to index
        %get3A_317 = arith.index_cast %add3A_284 : i32 to index
        %get3A_318 = arith.constant 32 : index
        %get3A_319 = tpu.vector_load %arg6[%get3A_316, %get3A_317, %get3A_318] {strides = array<i32>} : memref<2x200x64xf32, #tpu.memory_space<vmem>>, vector<16xf32>,
        %mul3A_320 = arith.constant 8.000000e+00 : f32
        %mul3A_321 = vector.broadcast %mul3A_320 : f32 to vector<16xf32>
        %mul3A_322 = arith.mulf %get3A_319, %mul3A_321 : vector<16xf32>
        %add3A_323 = arith.constant 0 : i32
        %add3A_324 = arith.addi %mul3A_286, %add3A_323 : i32
        %swap3A_325 = arith.constant 0 : i32
        %swap3A_326 = arith.index_cast %swap3A_325 : i32 to index
        %swap3A_327 = arith.index_cast %add3A_324 : i32 to index
        %swap3A_328 = arith.constant 32 : index
        %swap3A_329 = tpu.vector_load %arg7[%swap3A_326, %swap3A_327, %swap3A_328] {strides = array<i32>} : memref<2x100x128xf32, #tpu.memory_space<vmem>>, vector<16xf32>,
        tpu.vector_store %arg7[%swap3A_326, %swap3A_327, %swap3A_328], %mul3A_322 {strides = array<i32>} : memref<2x100x128xf32, #tpu.memory_space<vmem>>, vector<16xf32>,
        %get3A_330 = arith.constant 0 : i32
        %get3A_331 = arith.index_cast %get3A_330 : i32 to index
        %get3A_332 = arith.index_cast %add3A_284 : i32 to index
        %get3A_333 = arith.constant 48 : index
        %get3A_334 = tpu.vector_load %arg6[%get3A_331, %get3A_332, %get3A_333] {strides = array<i32>} : memref<2x200x64xf32, #tpu.memory_space<vmem>>, vector<16xf32>,
        %mul3A_335 = arith.constant 8.000000e+00 : f32
        %mul3A_336 = vector.broadcast %mul3A_335 : f32 to vector<16xf32>
        %mul3A_337 = arith.mulf %get3A_334, %mul3A_336 : vector<16xf32>
        %add3A_338 = arith.constant 0 : i32
        %add3A_339 = arith.addi %mul3A_286, %add3A_338 : i32
        %swap3A_340 = arith.constant 0 : i32
        %swap3A_341 = arith.index_cast %swap3A_340 : i32 to index
        %swap3A_342 = arith.index_cast %add3A_339 : i32 to index
        %swap3A_343 = arith.constant 48 : index
        %swap3A_344 = tpu.vector_load %arg7[%swap3A_341, %swap3A_342, %swap3A_343] {strides = array<i32>} : memref<2x100x128xf32, #tpu.memory_space<vmem>>, vector<16xf32>,
        tpu.vector_store %arg7[%swap3A_341, %swap3A_342, %swap3A_343], %mul3A_337 {strides = array<i32>} : memref<2x100x128xf32, #tpu.memory_space<vmem>>, vector<16xf32>,
        %mul3A_345 = arith.constant 8 : i32
        %mul3A_346 = arith.muli %scan3A_280, %mul3A_345 : i32
        %add3A_347 = arith.constant 1 : i32
        %add3A_348 = arith.addi %mul3A_346, %add3A_347 : i32
        %mul3A_349 = arith.constant 4 : i32
        %mul3A_350 = arith.muli %scan3A_280, %mul3A_349 : i32
        %get3A_351 = arith.constant 0 : i32
        %get3A_352 = arith.index_cast %get3A_351 : i32 to index
        %get3A_353 = arith.index_cast %add3A_348 : i32 to index
        %get3A_354 = arith.constant 0 : index
        %get3A_355 = tpu.vector_load %arg6[%get3A_352, %get3A_353, %get3A_354] {strides = array<i32>} : memref<2x200x64xf32, #tpu.memory_space<vmem>>, vector<16xf32>,
        %mul3A_356 = arith.constant 8.000000e+00 : f32
        %mul3A_357 = vector.broadcast %mul3A_356 : f32 to vector<16xf32>
        %mul3A_358 = arith.mulf %get3A_355, %mul3A_357 : vector<16xf32>
        %add3A_359 = arith.constant 0 : i32
        %add3A_360 = arith.addi %mul3A_350, %add3A_359 : i32
        %swap3A_361 = arith.constant 0 : i32
        %swap3A_362 = arith.index_cast %swap3A_361 : i32 to index
        %swap3A_363 = arith.index_cast %add3A_360 : i32 to index
        %swap3A_364 = arith.constant 64 : index
        %swap3A_365 = tpu.vector_load %arg7[%swap3A_362, %swap3A_363, %swap3A_364] {strides = array<i32>} : memref<2x100x128xf32, #tpu.memory_space<vmem>>, vector<16xf32>,
        tpu.vector_store %arg7[%swap3A_362, %swap3A_363, %swap3A_364], %mul3A_358 {strides = array<i32>} : memref<2x100x128xf32, #tpu.memory_space<vmem>>, vector<16xf32>,
        %get3A_366 = arith.constant 0 : i32
        %get3A_367 = arith.index_cast %get3A_366 : i32 to index
        %get3A_368 = arith.index_cast %add3A_348 : i32 to index
        %get3A_369 = arith.constant 16 : index
        %get3A_370 = tpu.vector_load %arg6[%get3A_367, %get3A_368, %get3A_369] {strides = array<i32>} : memref<2x200x64xf32, #tpu.memory_space<vmem>>, vector<16xf32>,
        %mul3A_371 = arith.constant 8.000000e+00 : f32
        %mul3A_372 = vector.broadcast %mul3A_371 : f32 to vector<16xf32>
        %mul3A_373 = arith.mulf %get3A_370, %mul3A_372 : vector<16xf32>
        %add3A_374 = arith.constant 0 : i32
        %add3A_375 = arith.addi %mul3A_350, %add3A_374 : i32
        %swap3A_376 = arith.constant 0 : i32
        %swap3A_377 = arith.index_cast %swap3A_376 : i32 to index
        %swap3A_378 = arith.index_cast %add3A_375 : i32 to index
        %swap3A_379 = arith.constant 80 : index
        %swap3A_380 = tpu.vector_load %arg7[%swap3A_377, %swap3A_378, %swap3A_379] {strides = array<i32>} : memref<2x100x128xf32, #tpu.memory_space<vmem>>, vector<16xf32>,
        tpu.vector_store %arg7[%swap3A_377, %swap3A_378, %swap3A_379], %mul3A_373 {strides = array<i32>} : memref<2x100x128xf32, #tpu.memory_space<vmem>>, vector<16xf32>,
        %get3A_381 = arith.constant 0 : i32
        %get3A_382 = arith.index_cast %get3A_381 : i32 to index
        %get3A_383 = arith.index_cast %add3A_348 : i32 to index
        %get3A_384 = arith.constant 32 : index
        %get3A_385 = tpu.vector_load %arg6[%get3A_382, %get3A_383, %get3A_384] {strides = array<i32>} : memref<2x200x64xf32, #tpu.memory_space<vmem>>, vector<16xf32>,
        %mul3A_386 = arith.constant 8.000000e+00 : f32
        %mul3A_387 = vector.broadcast %mul3A_386 : f32 to vector<16xf32>
        %mul3A_388 = arith.mulf %get3A_385, %mul3A_387 : vector<16xf32>
        %add3A_389 = arith.constant 0 : i32
        %add3A_390 = arith.addi %mul3A_350, %add3A_389 : i32
        %swap3A_391 = arith.constant 0 : i32
        %swap3A_392 = arith.index_cast %swap3A_391 : i32 to index
        %swap3A_393 = arith.index_cast %add3A_390 : i32 to index
        %swap3A_394 = arith.constant 96 : index
        %swap3A_395 = tpu.vector_load %arg7[%swap3A_392, %swap3A_393, %swap3A_394] {strides = array<i32>} : memref<2x100x128xf32, #tpu.memory_space<vmem>>, vector<16xf32>,
        tpu.vector_store %arg7[%swap3A_392, %swap3A_393, %swap3A_394], %mul3A_388 {strides = array<i32>} : memref<2x100x128xf32, #tpu.memory_space<vmem>>, vector<16xf32>,
        %get3A_396 = arith.constant 0 : i32
        %get3A_397 = arith.index_cast %get3A_396 : i32 to index
        %get3A_398 = arith.index_cast %add3A_348 : i32 to index
        %get3A_399 = arith.constant 48 : index
        %get3A_400 = tpu.vector_load %arg6[%get3A_397, %get3A_398, %get3A_399] {strides = array<i32>} : memref<2x200x64xf32, #tpu.memory_space<vmem>>, vector<16xf32>,
        %mul3A_401 = arith.constant 8.000000e+00 : f32
        %mul3A_402 = vector.broadcast %mul3A_401 : f32 to vector<16xf32>
        %mul3A_403 = arith.mulf %get3A_400, %mul3A_402 : vector<16xf32>
        %add3A_404 = arith.constant 0 : i32
        %add3A_405 = arith.addi %mul3A_350, %add3A_404 : i32
        %swap3A_406 = arith.constant 0 : i32
        %swap3A_407 = arith.index_cast %swap3A_406 : i32 to index
        %swap3A_408 = arith.index_cast %add3A_405 : i32 to index
        %swap3A_409 = arith.constant 112 : index
        %swap3A_410 = tpu.vector_load %arg7[%swap3A_407, %swap3A_408, %swap3A_409] {strides = array<i32>} : memref<2x100x128xf32, #tpu.memory_space<vmem>>, vector<16xf32>,
        tpu.vector_store %arg7[%swap3A_407, %swap3A_408, %swap3A_409], %mul3A_403 {strides = array<i32>} : memref<2x100x128xf32, #tpu.memory_space<vmem>>, vector<16xf32>,
        %mul3A_411 = arith.constant 8 : i32
        %mul3A_412 = arith.muli %scan3A_280, %mul3A_411 : i32
        %add3A_413 = arith.constant 2 : i32
        %add3A_414 = arith.addi %mul3A_412, %add3A_413 : i32
        %mul3A_415 = arith.constant 4 : i32
        %mul3A_416 = arith.muli %scan3A_280, %mul3A_415 : i32
        %get3A_417 = arith.constant 0 : i32
        %get3A_418 = arith.index_cast %get3A_417 : i32 to index
        %get3A_419 = arith.index_cast %add3A_414 : i32 to index
        %get3A_420 = arith.constant 0 : index
        %get3A_421 = tpu.vector_load %arg6[%get3A_418, %get3A_419, %get3A_420] {strides = array<i32>} : memref<2x200x64xf32, #tpu.memory_space<vmem>>, vector<16xf32>,
        %mul3A_422 = arith.constant 8.000000e+00 : f32
        %mul3A_423 = vector.broadcast %mul3A_422 : f32 to vector<16xf32>
        %mul3A_424 = arith.mulf %get3A_421, %mul3A_423 : vector<16xf32>
        %add3A_425 = arith.constant 1 : i32
        %add3A_426 = arith.addi %mul3A_416, %add3A_425 : i32
        %swap3A_427 = arith.constant 0 : i32
        %swap3A_428 = arith.index_cast %swap3A_427 : i32 to index
        %swap3A_429 = arith.index_cast %add3A_426 : i32 to index
        %swap3A_430 = arith.constant 0 : index
        %swap3A_431 = tpu.vector_load %arg7[%swap3A_428, %swap3A_429, %swap3A_430] {strides = array<i32>} : memref<2x100x128xf32, #tpu.memory_space<vmem>>, vector<16xf32>,
        tpu.vector_store %arg7[%swap3A_428, %swap3A_429, %swap3A_430], %mul3A_424 {strides = array<i32>} : memref<2x100x128xf32, #tpu.memory_space<vmem>>, vector<16xf32>,
        %get3A_432 = arith.constant 0 : i32
        %get3A_433 = arith.index_cast %get3A_432 : i32 to index
        %get3A_434 = arith.index_cast %add3A_414 : i32 to index
        %get3A_435 = arith.constant 16 : index
        %get3A_436 = tpu.vector_load %arg6[%get3A_433, %get3A_434, %get3A_435] {strides = array<i32>} : memref<2x200x64xf32, #tpu.memory_space<vmem>>, vector<16xf32>,
        %mul3A_437 = arith.constant 8.000000e+00 : f32
        %mul3A_438 = vector.broadcast %mul3A_437 : f32 to vector<16xf32>
        %mul3A_439 = arith.mulf %get3A_436, %mul3A_438 : vector<16xf32>
        %add3A_440 = arith.constant 1 : i32
        %add3A_441 = arith.addi %mul3A_416, %add3A_440 : i32
        %swap3A_442 = arith.constant 0 : i32
        %swap3A_443 = arith.index_cast %swap3A_442 : i32 to index
        %swap3A_444 = arith.index_cast %add3A_441 : i32 to index
        %swap3A_445 = arith.constant 16 : index
        %swap3A_446 = tpu.vector_load %arg7[%swap3A_443, %swap3A_444, %swap3A_445] {strides = array<i32>} : memref<2x100x128xf32, #tpu.memory_space<vmem>>, vector<16xf32>,
        tpu.vector_store %arg7[%swap3A_443, %swap3A_444, %swap3A_445], %mul3A_439 {strides = array<i32>} : memref<2x100x128xf32, #tpu.memory_space<vmem>>, vector<16xf32>,
        %get3A_447 = arith.constant 0 : i32
        %get3A_448 = arith.index_cast %get3A_447 : i32 to index
        %get3A_449 = arith.index_cast %add3A_414 : i32 to index
        %get3A_450 = arith.constant 32 : index
        %get3A_451 = tpu.vector_load %arg6[%get3A_448, %get3A_449, %get3A_450] {strides = array<i32>} : memref<2x200x64xf32, #tpu.memory_space<vmem>>, vector<16xf32>,
        %mul3A_452 = arith.constant 8.000000e+00 : f32
        %mul3A_453 = vector.broadcast %mul3A_452 : f32 to vector<16xf32>
        %mul3A_454 = arith.mulf %get3A_451, %mul3A_453 : vector<16xf32>
        %add3A_455 = arith.constant 1 : i32
        %add3A_456 = arith.addi %mul3A_416, %add3A_455 : i32
        %swap3A_457 = arith.constant 0 : i32
        %swap3A_458 = arith.index_cast %swap3A_457 : i32 to index
        %swap3A_459 = arith.index_cast %add3A_456 : i32 to index
        %swap3A_460 = arith.constant 32 : index
        %swap3A_461 = tpu.vector_load %arg7[%swap3A_458, %swap3A_459, %swap3A_460] {strides = array<i32>} : memref<2x100x128xf32, #tpu.memory_space<vmem>>, vector<16xf32>,
        tpu.vector_store %arg7[%swap3A_458, %swap3A_459, %swap3A_460], %mul3A_454 {strides = array<i32>} : memref<2x100x128xf32, #tpu.memory_space<vmem>>, vector<16xf32>,
        %get3A_462 = arith.constant 0 : i32
        %get3A_463 = arith.index_cast %get3A_462 : i32 to index
        %get3A_464 = arith.index_cast %add3A_414 : i32 to index
        %get3A_465 = arith.constant 48 : index
        %get3A_466 = tpu.vector_load %arg6[%get3A_463, %get3A_464, %get3A_465] {strides = array<i32>} : memref<2x200x64xf32, #tpu.memory_space<vmem>>, vector<16xf32>,
        %mul3A_467 = arith.constant 8.000000e+00 : f32
        %mul3A_468 = vector.broadcast %mul3A_467 : f32 to vector<16xf32>
        %mul3A_469 = arith.mulf %get3A_466, %mul3A_468 : vector<16xf32>
        %add3A_470 = arith.constant 1 : i32
        %add3A_471 = arith.addi %mul3A_416, %add3A_470 : i32
        %swap3A_472 = arith.constant 0 : i32
        %swap3A_473 = arith.index_cast %swap3A_472 : i32 to index
        %swap3A_474 = arith.index_cast %add3A_471 : i32 to index
        %swap3A_475 = arith.constant 48 : index
        %swap3A_476 = tpu.vector_load %arg7[%swap3A_473, %swap3A_474, %swap3A_475] {strides = array<i32>} : memref<2x100x128xf32, #tpu.memory_space<vmem>>, vector<16xf32>,
        tpu.vector_store %arg7[%swap3A_473, %swap3A_474, %swap3A_475], %mul3A_469 {strides = array<i32>} : memref<2x100x128xf32, #tpu.memory_space<vmem>>, vector<16xf32>,
        %mul3A_477 = arith.constant 8 : i32
        %mul3A_478 = arith.muli %scan3A_280, %mul3A_477 : i32
        %add3A_479 = arith.constant 3 : i32
        %add3A_480 = arith.addi %mul3A_478, %add3A_479 : i32
        %mul3A_481 = arith.constant 4 : i32
        %mul3A_482 = arith.muli %scan3A_280, %mul3A_481 : i32
        %get3A_483 = arith.constant 0 : i32
        %get3A_484 = arith.index_cast %get3A_483 : i32 to index
        %get3A_485 = arith.index_cast %add3A_480 : i32 to index
        %get3A_486 = arith.constant 0 : index
        %get3A_487 = tpu.vector_load %arg6[%get3A_484, %get3A_485, %get3A_486] {strides = array<i32>} : memref<2x200x64xf32, #tpu.memory_space<vmem>>, vector<16xf32>,
        %mul3A_488 = arith.constant 8.000000e+00 : f32
        %mul3A_489 = vector.broadcast %mul3A_488 : f32 to vector<16xf32>
        %mul3A_490 = arith.mulf %get3A_487, %mul3A_489 : vector<16xf32>
        %add3A_491 = arith.constant 1 : i32
        %add3A_492 = arith.addi %mul3A_482, %add3A_491 : i32
        %swap3A_493 = arith.constant 0 : i32
        %swap3A_494 = arith.index_cast %swap3A_493 : i32 to index
        %swap3A_495 = arith.index_cast %add3A_492 : i32 to index
        %swap3A_496 = arith.constant 64 : index
        %swap3A_497 = tpu.vector_load %arg7[%swap3A_494, %swap3A_495, %swap3A_496] {strides = array<i32>} : memref<2x100x128xf32, #tpu.memory_space<vmem>>, vector<16xf32>,
        tpu.vector_store %arg7[%swap3A_494, %swap3A_495, %swap3A_496], %mul3A_490 {strides = array<i32>} : memref<2x100x128xf32, #tpu.memory_space<vmem>>, vector<16xf32>,
        %get3A_498 = arith.constant 0 : i32
        %get3A_499 = arith.index_cast %get3A_498 : i32 to index
        %get3A_500 = arith.index_cast %add3A_480 : i32 to index
        %get3A_501 = arith.constant 16 : index
        %get3A_502 = tpu.vector_load %arg6[%get3A_499, %get3A_500, %get3A_501] {strides = array<i32>} : memref<2x200x64xf32, #tpu.memory_space<vmem>>, vector<16xf32>,
        %mul3A_503 = arith.constant 8.000000e+00 : f32
        %mul3A_504 = vector.broadcast %mul3A_503 : f32 to vector<16xf32>
        %mul3A_505 = arith.mulf %get3A_502, %mul3A_504 : vector<16xf32>
        %add3A_506 = arith.constant 1 : i32
        %add3A_507 = arith.addi %mul3A_482, %add3A_506 : i32
        %swap3A_508 = arith.constant 0 : i32
        %swap3A_509 = arith.index_cast %swap3A_508 : i32 to index
        %swap3A_510 = arith.index_cast %add3A_507 : i32 to index
        %swap3A_511 = arith.constant 80 : index
        %swap3A_512 = tpu.vector_load %arg7[%swap3A_509, %swap3A_510, %swap3A_511] {strides = array<i32>} : memref<2x100x128xf32, #tpu.memory_space<vmem>>, vector<16xf32>,
        tpu.vector_store %arg7[%swap3A_509, %swap3A_510, %swap3A_511], %mul3A_505 {strides = array<i32>} : memref<2x100x128xf32, #tpu.memory_space<vmem>>, vector<16xf32>,
        %get3A_513 = arith.constant 0 : i32
        %get3A_514 = arith.index_cast %get3A_513 : i32 to index
        %get3A_515 = arith.index_cast %add3A_480 : i32 to index
        %get3A_516 = arith.constant 32 : index
        %get3A_517 = tpu.vector_load %arg6[%get3A_514, %get3A_515, %get3A_516] {strides = array<i32>} : memref<2x200x64xf32, #tpu.memory_space<vmem>>, vector<16xf32>,
        %mul3A_518 = arith.constant 8.000000e+00 : f32
        %mul3A_519 = vector.broadcast %mul3A_518 : f32 to vector<16xf32>
        %mul3A_520 = arith.mulf %get3A_517, %mul3A_519 : vector<16xf32>
        %add3A_521 = arith.constant 1 : i32
        %add3A_522 = arith.addi %mul3A_482, %add3A_521 : i32
        %swap3A_523 = arith.constant 0 : i32
        %swap3A_524 = arith.index_cast %swap3A_523 : i32 to index
        %swap3A_525 = arith.index_cast %add3A_522 : i32 to index
        %swap3A_526 = arith.constant 96 : index
        %swap3A_527 = tpu.vector_load %arg7[%swap3A_524, %swap3A_525, %swap3A_526] {strides = array<i32>} : memref<2x100x128xf32, #tpu.memory_space<vmem>>, vector<16xf32>,
        tpu.vector_store %arg7[%swap3A_524, %swap3A_525, %swap3A_526], %mul3A_520 {strides = array<i32>} : memref<2x100x128xf32, #tpu.memory_space<vmem>>, vector<16xf32>,
        %get3A_528 = arith.constant 0 : i32
        %get3A_529 = arith.index_cast %get3A_528 : i32 to index
        %get3A_530 = arith.index_cast %add3A_480 : i32 to index
        %get3A_531 = arith.constant 48 : index
        %get3A_532 = tpu.vector_load %arg6[%get3A_529, %get3A_530, %get3A_531] {strides = array<i32>} : memref<2x200x64xf32, #tpu.memory_space<vmem>>, vector<16xf32>,
        %mul3A_533 = arith.constant 8.000000e+00 : f32
        %mul3A_534 = vector.broadcast %mul3A_533 : f32 to vector<16xf32>
        %mul3A_535 = arith.mulf %get3A_532, %mul3A_534 : vector<16xf32>
        %add3A_536 = arith.constant 1 : i32
        %add3A_537 = arith.addi %mul3A_482, %add3A_536 : i32
        %swap3A_538 = arith.constant 0 : i32
        %swap3A_539 = arith.index_cast %swap3A_538 : i32 to index
        %swap3A_540 = arith.index_cast %add3A_537 : i32 to index
        %swap3A_541 = arith.constant 112 : index
        %swap3A_542 = tpu.vector_load %arg7[%swap3A_539, %swap3A_540, %swap3A_541] {strides = array<i32>} : memref<2x100x128xf32, #tpu.memory_space<vmem>>, vector<16xf32>,
        tpu.vector_store %arg7[%swap3A_539, %swap3A_540, %swap3A_541], %mul3A_535 {strides = array<i32>} : memref<2x100x128xf32, #tpu.memory_space<vmem>>, vector<16xf32>,
        %mul3A_543 = arith.constant 8 : i32
        %mul3A_544 = arith.muli %scan3A_280, %mul3A_543 : i32
        %add3A_545 = arith.constant 4 : i32
        %add3A_546 = arith.addi %mul3A_544, %add3A_545 : i32
        %mul3A_547 = arith.constant 4 : i32
        %mul3A_548 = arith.muli %scan3A_280, %mul3A_547 : i32
        %get3A_549 = arith.constant 0 : i32
        %get3A_550 = arith.index_cast %get3A_549 : i32 to index
        %get3A_551 = arith.index_cast %add3A_546 : i32 to index
        %get3A_552 = arith.constant 0 : index
        %get3A_553 = tpu.vector_load %arg6[%get3A_550, %get3A_551, %get3A_552] {strides = array<i32>} : memref<2x200x64xf32, #tpu.memory_space<vmem>>, vector<16xf32>,
        %mul3A_554 = arith.constant 8.000000e+00 : f32
        %mul3A_555 = vector.broadcast %mul3A_554 : f32 to vector<16xf32>
        %mul3A_556 = arith.mulf %get3A_553, %mul3A_555 : vector<16xf32>
        %add3A_557 = arith.constant 2 : i32
        %add3A_558 = arith.addi %mul3A_548, %add3A_557 : i32
        %swap3A_559 = arith.constant 0 : i32
        %swap3A_560 = arith.index_cast %swap3A_559 : i32 to index
        %swap3A_561 = arith.index_cast %add3A_558 : i32 to index
        %swap3A_562 = arith.constant 0 : index
        %swap3A_563 = tpu.vector_load %arg7[%swap3A_560, %swap3A_561, %swap3A_562] {strides = array<i32>} : memref<2x100x128xf32, #tpu.memory_space<vmem>>, vector<16xf32>,
        tpu.vector_store %arg7[%swap3A_560, %swap3A_561, %swap3A_562], %mul3A_556 {strides = array<i32>} : memref<2x100x128xf32, #tpu.memory_space<vmem>>, vector<16xf32>,
        %get3A_564 = arith.constant 0 : i32
        %get3A_565 = arith.index_cast %get3A_564 : i32 to index
        %get3A_566 = arith.index_cast %add3A_546 : i32 to index
        %get3A_567 = arith.constant 16 : index
        %get3A_568 = tpu.vector_load %arg6[%get3A_565, %get3A_566, %get3A_567] {strides = array<i32>} : memref<2x200x64xf32, #tpu.memory_space<vmem>>, vector<16xf32>,
        %mul3A_569 = arith.constant 8.000000e+00 : f32
        %mul3A_570 = vector.broadcast %mul3A_569 : f32 to vector<16xf32>
        %mul3A_571 = arith.mulf %get3A_568, %mul3A_570 : vector<16xf32>
        %add3A_572 = arith.constant 2 : i32
        %add3A_573 = arith.addi %mul3A_548, %add3A_572 : i32
        %swap3A_574 = arith.constant 0 : i32
        %swap3A_575 = arith.index_cast %swap3A_574 : i32 to index
        %swap3A_576 = arith.index_cast %add3A_573 : i32 to index
        %swap3A_577 = arith.constant 16 : index
        %swap3A_578 = tpu.vector_load %arg7[%swap3A_575, %swap3A_576, %swap3A_577] {strides = array<i32>} : memref<2x100x128xf32, #tpu.memory_space<vmem>>, vector<16xf32>,
        tpu.vector_store %arg7[%swap3A_575, %swap3A_576, %swap3A_577], %mul3A_571 {strides = array<i32>} : memref<2x100x128xf32, #tpu.memory_space<vmem>>, vector<16xf32>,
        %get3A_579 = arith.constant 0 : i32
        %get3A_580 = arith.index_cast %get3A_579 : i32 to index
        %get3A_581 = arith.index_cast %add3A_546 : i32 to index
        %get3A_582 = arith.constant 32 : index
        %get3A_583 = tpu.vector_load %arg6[%get3A_580, %get3A_581, %get3A_582] {strides = array<i32>} : memref<2x200x64xf32, #tpu.memory_space<vmem>>, vector<16xf32>,
        %mul3A_584 = arith.constant 8.000000e+00 : f32
        %mul3A_585 = vector.broadcast %mul3A_584 : f32 to vector<16xf32>
        %mul3A_586 = arith.mulf %get3A_583, %mul3A_585 : vector<16xf32>
        %add3A_587 = arith.constant 2 : i32
        %add3A_588 = arith.addi %mul3A_548, %add3A_587 : i32
        %swap3A_589 = arith.constant 0 : i32
        %swap3A_590 = arith.index_cast %swap3A_589 : i32 to index
        %swap3A_591 = arith.index_cast %add3A_588 : i32 to index
        %swap3A_592 = arith.constant 32 : index
        %swap3A_593 = tpu.vector_load %arg7[%swap3A_590, %swap3A_591, %swap3A_592] {strides = array<i32>} : memref<2x100x128xf32, #tpu.memory_space<vmem>>, vector<16xf32>,
        tpu.vector_store %arg7[%swap3A_590, %swap3A_591, %swap3A_592], %mul3A_586 {strides = array<i32>} : memref<2x100x128xf32, #tpu.memory_space<vmem>>, vector<16xf32>,
        %get3A_594 = arith.constant 0 : i32
        %get3A_595 = arith.index_cast %get3A_594 : i32 to index
        %get3A_596 = arith.index_cast %add3A_546 : i32 to index
        %get3A_597 = arith.constant 48 : index
        %get3A_598 = tpu.vector_load %arg6[%get3A_595, %get3A_596, %get3A_597] {strides = array<i32>} : memref<2x200x64xf32, #tpu.memory_space<vmem>>, vector<16xf32>,
        %mul3A_599 = arith.constant 8.000000e+00 : f32
        %mul3A_600 = vector.broadcast %mul3A_599 : f32 to vector<16xf32>
        %mul3A_601 = arith.mulf %get3A_598, %mul3A_600 : vector<16xf32>
        %add3A_602 = arith.constant 2 : i32
        %add3A_603 = arith.addi %mul3A_548, %add3A_602 : i32
        %swap3A_604 = arith.constant 0 : i32
        %swap3A_605 = arith.index_cast %swap3A_604 : i32 to index
        %swap3A_606 = arith.index_cast %add3A_603 : i32 to index
        %swap3A_607 = arith.constant 48 : index
        %swap3A_608 = tpu.vector_load %arg7[%swap3A_605, %swap3A_606, %swap3A_607] {strides = array<i32>} : memref<2x100x128xf32, #tpu.memory_space<vmem>>, vector<16xf32>,
        tpu.vector_store %arg7[%swap3A_605, %swap3A_606, %swap3A_607], %mul3A_601 {strides = array<i32>} : memref<2x100x128xf32, #tpu.memory_space<vmem>>, vector<16xf32>,
        %mul3A_609 = arith.constant 8 : i32
        %mul3A_610 = arith.muli %scan3A_280, %mul3A_609 : i32
        %add3A_611 = arith.constant 5 : i32
        %add3A_612 = arith.addi %mul3A_610, %add3A_611 : i32
        %mul3A_613 = arith.constant 4 : i32
        %mul3A_614 = arith.muli %scan3A_280, %mul3A_613 : i32
        %get3A_615 = arith.constant 0 : i32
        %get3A_616 = arith.index_cast %get3A_615 : i32 to index
        %get3A_617 = arith.index_cast %add3A_612 : i32 to index
        %get3A_618 = arith.constant 0 : index
        %get3A_619 = tpu.vector_load %arg6[%get3A_616, %get3A_617, %get3A_618] {strides = array<i32>} : memref<2x200x64xf32, #tpu.memory_space<vmem>>, vector<16xf32>,
        %mul3A_620 = arith.constant 8.000000e+00 : f32
        %mul3A_621 = vector.broadcast %mul3A_620 : f32 to vector<16xf32>
        %mul3A_622 = arith.mulf %get3A_619, %mul3A_621 : vector<16xf32>
        %add3A_623 = arith.constant 2 : i32
        %add3A_624 = arith.addi %mul3A_614, %add3A_623 : i32
        %swap3A_625 = arith.constant 0 : i32
        %swap3A_626 = arith.index_cast %swap3A_625 : i32 to index
        %swap3A_627 = arith.index_cast %add3A_624 : i32 to index
        %swap3A_628 = arith.constant 64 : index
        %swap3A_629 = tpu.vector_load %arg7[%swap3A_626, %swap3A_627, %swap3A_628] {strides = array<i32>} : memref<2x100x128xf32, #tpu.memory_space<vmem>>, vector<16xf32>,
        tpu.vector_store %arg7[%swap3A_626, %swap3A_627, %swap3A_628], %mul3A_622 {strides = array<i32>} : memref<2x100x128xf32, #tpu.memory_space<vmem>>, vector<16xf32>,
        %get3A_630 = arith.constant 0 : i32
        %get3A_631 = arith.index_cast %get3A_630 : i32 to index
        %get3A_632 = arith.index_cast %add3A_612 : i32 to index
        %get3A_633 = arith.constant 16 : index
        %get3A_634 = tpu.vector_load %arg6[%get3A_631, %get3A_632, %get3A_633] {strides = array<i32>} : memref<2x200x64xf32, #tpu.memory_space<vmem>>, vector<16xf32>,
        %mul3A_635 = arith.constant 8.000000e+00 : f32
        %mul3A_636 = vector.broadcast %mul3A_635 : f32 to vector<16xf32>
        %mul3A_637 = arith.mulf %get3A_634, %mul3A_636 : vector<16xf32>
        %add3A_638 = arith.constant 2 : i32
        %add3A_639 = arith.addi %mul3A_614, %add3A_638 : i32
        %swap3A_640 = arith.constant 0 : i32
        %swap3A_641 = arith.index_cast %swap3A_640 : i32 to index
        %swap3A_642 = arith.index_cast %add3A_639 : i32 to index
        %swap3A_643 = arith.constant 80 : index
        %swap3A_644 = tpu.vector_load %arg7[%swap3A_641, %swap3A_642, %swap3A_643] {strides = array<i32>} : memref<2x100x128xf32, #tpu.memory_space<vmem>>, vector<16xf32>,
        tpu.vector_store %arg7[%swap3A_641, %swap3A_642, %swap3A_643], %mul3A_637 {strides = array<i32>} : memref<2x100x128xf32, #tpu.memory_space<vmem>>, vector<16xf32>,
        %get3A_645 = arith.constant 0 : i32
        %get3A_646 = arith.index_cast %get3A_645 : i32 to index
        %get3A_647 = arith.index_cast %add3A_612 : i32 to index
        %get3A_648 = arith.constant 32 : index
        %get3A_649 = tpu.vector_load %arg6[%get3A_646, %get3A_647, %get3A_648] {strides = array<i32>} : memref<2x200x64xf32, #tpu.memory_space<vmem>>, vector<16xf32>,
        %mul3A_650 = arith.constant 8.000000e+00 : f32
        %mul3A_651 = vector.broadcast %mul3A_650 : f32 to vector<16xf32>
        %mul3A_652 = arith.mulf %get3A_649, %mul3A_651 : vector<16xf32>
        %add3A_653 = arith.constant 2 : i32
        %add3A_654 = arith.addi %mul3A_614, %add3A_653 : i32
        %swap3A_655 = arith.constant 0 : i32
        %swap3A_656 = arith.index_cast %swap3A_655 : i32 to index
        %swap3A_657 = arith.index_cast %add3A_654 : i32 to index
        %swap3A_658 = arith.constant 96 : index
        %swap3A_659 = tpu.vector_load %arg7[%swap3A_656, %swap3A_657, %swap3A_658] {strides = array<i32>} : memref<2x100x128xf32, #tpu.memory_space<vmem>>, vector<16xf32>,
        tpu.vector_store %arg7[%swap3A_656, %swap3A_657, %swap3A_658], %mul3A_652 {strides = array<i32>} : memref<2x100x128xf32, #tpu.memory_space<vmem>>, vector<16xf32>,
        %get3A_660 = arith.constant 0 : i32
        %get3A_661 = arith.index_cast %get3A_660 : i32 to index
        %get3A_662 = arith.index_cast %add3A_612 : i32 to index
        %get3A_663 = arith.constant 48 : index
        %get3A_664 = tpu.vector_load %arg6[%get3A_661, %get3A_662, %get3A_663] {strides = array<i32>} : memref<2x200x64xf32, #tpu.memory_space<vmem>>, vector<16xf32>,
        %mul3A_665 = arith.constant 8.000000e+00 : f32
        %mul3A_666 = vector.broadcast %mul3A_665 : f32 to vector<16xf32>
        %mul3A_667 = arith.mulf %get3A_664, %mul3A_666 : vector<16xf32>
        %add3A_668 = arith.constant 2 : i32
        %add3A_669 = arith.addi %mul3A_614, %add3A_668 : i32
        %swap3A_670 = arith.constant 0 : i32
        %swap3A_671 = arith.index_cast %swap3A_670 : i32 to index
        %swap3A_672 = arith.index_cast %add3A_669 : i32 to index
        %swap3A_673 = arith.constant 112 : index
        %swap3A_674 = tpu.vector_load %arg7[%swap3A_671, %swap3A_672, %swap3A_673] {strides = array<i32>} : memref<2x100x128xf32, #tpu.memory_space<vmem>>, vector<16xf32>,
        tpu.vector_store %arg7[%swap3A_671, %swap3A_672, %swap3A_673], %mul3A_667 {strides = array<i32>} : memref<2x100x128xf32, #tpu.memory_space<vmem>>, vector<16xf32>,
        %mul3A_675 = arith.constant 8 : i32
        %mul3A_676 = arith.muli %scan3A_280, %mul3A_675 : i32
        %add3A_677 = arith.constant 6 : i32
        %add3A_678 = arith.addi %mul3A_676, %add3A_677 : i32
        %mul3A_679 = arith.constant 4 : i32
        %mul3A_680 = arith.muli %scan3A_280, %mul3A_679 : i32
        %get3A_681 = arith.constant 0 : i32
        %get3A_682 = arith.index_cast %get3A_681 : i32 to index
        %get3A_683 = arith.index_cast %add3A_678 : i32 to index
        %get3A_684 = arith.constant 0 : index
        %get3A_685 = tpu.vector_load %arg6[%get3A_682, %get3A_683, %get3A_684] {strides = array<i32>} : memref<2x200x64xf32, #tpu.memory_space<vmem>>, vector<16xf32>,
        %mul3A_686 = arith.constant 8.000000e+00 : f32
        %mul3A_687 = vector.broadcast %mul3A_686 : f32 to vector<16xf32>
        %mul3A_688 = arith.mulf %get3A_685, %mul3A_687 : vector<16xf32>
        %add3A_689 = arith.constant 3 : i32
        %add3A_690 = arith.addi %mul3A_680, %add3A_689 : i32
        %swap3A_691 = arith.constant 0 : i32
        %swap3A_692 = arith.index_cast %swap3A_691 : i32 to index
        %swap3A_693 = arith.index_cast %add3A_690 : i32 to index
        %swap3A_694 = arith.constant 0 : index
        %swap3A_695 = tpu.vector_load %arg7[%swap3A_692, %swap3A_693, %swap3A_694] {strides = array<i32>} : memref<2x100x128xf32, #tpu.memory_space<vmem>>, vector<16xf32>,
        tpu.vector_store %arg7[%swap3A_692, %swap3A_693, %swap3A_694], %mul3A_688 {strides = array<i32>} : memref<2x100x128xf32, #tpu.memory_space<vmem>>, vector<16xf32>,
        %get3A_696 = arith.constant 0 : i32
        %get3A_697 = arith.index_cast %get3A_696 : i32 to index
        %get3A_698 = arith.index_cast %add3A_678 : i32 to index
        %get3A_699 = arith.constant 16 : index
        %get3A_700 = tpu.vector_load %arg6[%get3A_697, %get3A_698, %get3A_699] {strides = array<i32>} : memref<2x200x64xf32, #tpu.memory_space<vmem>>, vector<16xf32>,
        %mul3A_701 = arith.constant 8.000000e+00 : f32
        %mul3A_702 = vector.broadcast %mul3A_701 : f32 to vector<16xf32>
        %mul3A_703 = arith.mulf %get3A_700, %mul3A_702 : vector<16xf32>
        %add3A_704 = arith.constant 3 : i32
        %add3A_705 = arith.addi %mul3A_680, %add3A_704 : i32
        %swap3A_706 = arith.constant 0 : i32
        %swap3A_707 = arith.index_cast %swap3A_706 : i32 to index
        %swap3A_708 = arith.index_cast %add3A_705 : i32 to index
        %swap3A_709 = arith.constant 16 : index
        %swap3A_710 = tpu.vector_load %arg7[%swap3A_707, %swap3A_708, %swap3A_709] {strides = array<i32>} : memref<2x100x128xf32, #tpu.memory_space<vmem>>, vector<16xf32>,
        tpu.vector_store %arg7[%swap3A_707, %swap3A_708, %swap3A_709], %mul3A_703 {strides = array<i32>} : memref<2x100x128xf32, #tpu.memory_space<vmem>>, vector<16xf32>,
        %get3A_711 = arith.constant 0 : i32
        %get3A_712 = arith.index_cast %get3A_711 : i32 to index
        %get3A_713 = arith.index_cast %add3A_678 : i32 to index
        %get3A_714 = arith.constant 32 : index
        %get3A_715 = tpu.vector_load %arg6[%get3A_712, %get3A_713, %get3A_714] {strides = array<i32>} : memref<2x200x64xf32, #tpu.memory_space<vmem>>, vector<16xf32>,
        %mul3A_716 = arith.constant 8.000000e+00 : f32
        %mul3A_717 = vector.broadcast %mul3A_716 : f32 to vector<16xf32>
        %mul3A_718 = arith.mulf %get3A_715, %mul3A_717 : vector<16xf32>
        %add3A_719 = arith.constant 3 : i32
        %add3A_720 = arith.addi %mul3A_680, %add3A_719 : i32
        %swap3A_721 = arith.constant 0 : i32
        %swap3A_722 = arith.index_cast %swap3A_721 : i32 to index
        %swap3A_723 = arith.index_cast %add3A_720 : i32 to index
        %swap3A_724 = arith.constant 32 : index
        %swap3A_725 = tpu.vector_load %arg7[%swap3A_722, %swap3A_723, %swap3A_724] {strides = array<i32>} : memref<2x100x128xf32, #tpu.memory_space<vmem>>, vector<16xf32>,
        tpu.vector_store %arg7[%swap3A_722, %swap3A_723, %swap3A_724], %mul3A_718 {strides = array<i32>} : memref<2x100x128xf32, #tpu.memory_space<vmem>>, vector<16xf32>,
        %get3A_726 = arith.constant 0 : i32
        %get3A_727 = arith.index_cast %get3A_726 : i32 to index
        %get3A_728 = arith.index_cast %add3A_678 : i32 to index
        %get3A_729 = arith.constant 48 : index
        %get3A_730 = tpu.vector_load %arg6[%get3A_727, %get3A_728, %get3A_729] {strides = array<i32>} : memref<2x200x64xf32, #tpu.memory_space<vmem>>, vector<16xf32>,
        %mul3A_731 = arith.constant 8.000000e+00 : f32
        %mul3A_732 = vector.broadcast %mul3A_731 : f32 to vector<16xf32>
        %mul3A_733 = arith.mulf %get3A_730, %mul3A_732 : vector<16xf32>
        %add3A_734 = arith.constant 3 : i32
        %add3A_735 = arith.addi %mul3A_680, %add3A_734 : i32
        %swap3A_736 = arith.constant 0 : i32
        %swap3A_737 = arith.index_cast %swap3A_736 : i32 to index
        %swap3A_738 = arith.index_cast %add3A_735 : i32 to index
        %swap3A_739 = arith.constant 48 : index
        %swap3A_740 = tpu.vector_load %arg7[%swap3A_737, %swap3A_738, %swap3A_739] {strides = array<i32>} : memref<2x100x128xf32, #tpu.memory_space<vmem>>, vector<16xf32>,
        tpu.vector_store %arg7[%swap3A_737, %swap3A_738, %swap3A_739], %mul3A_733 {strides = array<i32>} : memref<2x100x128xf32, #tpu.memory_space<vmem>>, vector<16xf32>,
        %mul3A_741 = arith.constant 8 : i32
        %mul3A_742 = arith.muli %scan3A_280, %mul3A_741 : i32
        %add3A_743 = arith.constant 7 : i32
        %add3A_744 = arith.addi %mul3A_742, %add3A_743 : i32
        %mul3A_745 = arith.constant 4 : i32
        %mul3A_746 = arith.muli %scan3A_280, %mul3A_745 : i32
        %get3A_747 = arith.constant 0 : i32
        %get3A_748 = arith.index_cast %get3A_747 : i32 to index
        %get3A_749 = arith.index_cast %add3A_744 : i32 to index
        %get3A_750 = arith.constant 0 : index
        %get3A_751 = tpu.vector_load %arg6[%get3A_748, %get3A_749, %get3A_750] {strides = array<i32>} : memref<2x200x64xf32, #tpu.memory_space<vmem>>, vector<16xf32>,
        %mul3A_752 = arith.constant 8.000000e+00 : f32
        %mul3A_753 = vector.broadcast %mul3A_752 : f32 to vector<16xf32>
        %mul3A_754 = arith.mulf %get3A_751, %mul3A_753 : vector<16xf32>
        %add3A_755 = arith.constant 3 : i32
        %add3A_756 = arith.addi %mul3A_746, %add3A_755 : i32
        %swap3A_757 = arith.constant 0 : i32
        %swap3A_758 = arith.index_cast %swap3A_757 : i32 to index
        %swap3A_759 = arith.index_cast %add3A_756 : i32 to index
        %swap3A_760 = arith.constant 64 : index
        %swap3A_761 = tpu.vector_load %arg7[%swap3A_758, %swap3A_759, %swap3A_760] {strides = array<i32>} : memref<2x100x128xf32, #tpu.memory_space<vmem>>, vector<16xf32>,
        tpu.vector_store %arg7[%swap3A_758, %swap3A_759, %swap3A_760], %mul3A_754 {strides = array<i32>} : memref<2x100x128xf32, #tpu.memory_space<vmem>>, vector<16xf32>,
        %get3A_762 = arith.constant 0 : i32
        %get3A_763 = arith.index_cast %get3A_762 : i32 to index
        %get3A_764 = arith.index_cast %add3A_744 : i32 to index
        %get3A_765 = arith.constant 16 : index
        %get3A_766 = tpu.vector_load %arg6[%get3A_763, %get3A_764, %get3A_765] {strides = array<i32>} : memref<2x200x64xf32, #tpu.memory_space<vmem>>, vector<16xf32>,
        %mul3A_767 = arith.constant 8.000000e+00 : f32
        %mul3A_768 = vector.broadcast %mul3A_767 : f32 to vector<16xf32>
        %mul3A_769 = arith.mulf %get3A_766, %mul3A_768 : vector<16xf32>
        %add3A_770 = arith.constant 3 : i32
        %add3A_771 = arith.addi %mul3A_746, %add3A_770 : i32
        %swap3A_772 = arith.constant 0 : i32
        %swap3A_773 = arith.index_cast %swap3A_772 : i32 to index
        %swap3A_774 = arith.index_cast %add3A_771 : i32 to index
        %swap3A_775 = arith.constant 80 : index
        %swap3A_776 = tpu.vector_load %arg7[%swap3A_773, %swap3A_774, %swap3A_775] {strides = array<i32>} : memref<2x100x128xf32, #tpu.memory_space<vmem>>, vector<16xf32>,
        tpu.vector_store %arg7[%swap3A_773, %swap3A_774, %swap3A_775], %mul3A_769 {strides = array<i32>} : memref<2x100x128xf32, #tpu.memory_space<vmem>>, vector<16xf32>,
        %get3A_777 = arith.constant 0 : i32
        %get3A_778 = arith.index_cast %get3A_777 : i32 to index
        %get3A_779 = arith.index_cast %add3A_744 : i32 to index
        %get3A_780 = arith.constant 32 : index
        %get3A_781 = tpu.vector_load %arg6[%get3A_778, %get3A_779, %get3A_780] {strides = array<i32>} : memref<2x200x64xf32, #tpu.memory_space<vmem>>, vector<16xf32>,
        %mul3A_782 = arith.constant 8.000000e+00 : f32
        %mul3A_783 = vector.broadcast %mul3A_782 : f32 to vector<16xf32>
        %mul3A_784 = arith.mulf %get3A_781, %mul3A_783 : vector<16xf32>
        %add3A_785 = arith.constant 3 : i32
        %add3A_786 = arith.addi %mul3A_746, %add3A_785 : i32
        %swap3A_787 = arith.constant 0 : i32
        %swap3A_788 = arith.index_cast %swap3A_787 : i32 to index
        %swap3A_789 = arith.index_cast %add3A_786 : i32 to index
        %swap3A_790 = arith.constant 96 : index
        %swap3A_791 = tpu.vector_load %arg7[%swap3A_788, %swap3A_789, %swap3A_790] {strides = array<i32>} : memref<2x100x128xf32, #tpu.memory_space<vmem>>, vector<16xf32>,
        tpu.vector_store %arg7[%swap3A_788, %swap3A_789, %swap3A_790], %mul3A_784 {strides = array<i32>} : memref<2x100x128xf32, #tpu.memory_space<vmem>>, vector<16xf32>,
        %get3A_792 = arith.constant 0 : i32
        %get3A_793 = arith.index_cast %get3A_792 : i32 to index
        %get3A_794 = arith.index_cast %add3A_744 : i32 to index
        %get3A_795 = arith.constant 48 : index
        %get3A_796 = tpu.vector_load %arg6[%get3A_793, %get3A_794, %get3A_795] {strides = array<i32>} : memref<2x200x64xf32, #tpu.memory_space<vmem>>, vector<16xf32>,
        %mul3A_797 = arith.constant 8.000000e+00 : f32
        %mul3A_798 = vector.broadcast %mul3A_797 : f32 to vector<16xf32>
        %mul3A_799 = arith.mulf %get3A_796, %mul3A_798 : vector<16xf32>
        %add3A_800 = arith.constant 3 : i32
        %add3A_801 = arith.addi %mul3A_746, %add3A_800 : i32
        %swap3A_802 = arith.constant 0 : i32
        %swap3A_803 = arith.index_cast %swap3A_802 : i32 to index
        %swap3A_804 = arith.index_cast %add3A_801 : i32 to index
        %swap3A_805 = arith.constant 112 : index
        %swap3A_806 = tpu.vector_load %arg7[%swap3A_803, %swap3A_804, %swap3A_805] {strides = array<i32>} : memref<2x100x128xf32, #tpu.memory_space<vmem>>, vector<16xf32>,
        tpu.vector_store %arg7[%swap3A_803, %swap3A_804, %swap3A_805], %mul3A_799 {strides = array<i32>} : memref<2x100x128xf32, #tpu.memory_space<vmem>>, vector<16xf32>,
      }
      %scan3A_113 = arith.constant 25 : i32
      %mul3A_114 = arith.constant 128 : i32
      %mul3A_115 = arith.muli %add3A, %mul3A_114 : i32
      %add3A_116 = arith.addi %mul3A_115, %add3A_80 : i32
      %jit3A = arith.constant 8 : i32
      %div3A = arith.divsi %add3A_116, %jit3A : i32
      %sign3A = arith.constant 0 : i32
      %sign3A_117 = arith.cmpi sgt, %add3A_116, %sign3A : i32
      %sign3A_118 = arith.extui %sign3A_117 : i1 to i32
      %sign3A_119 = arith.constant 0 : i32
      %sign3A_120 = arith.cmpi slt, %add3A_116, %sign3A_119 : i32
      %sign3A_121 = arith.extui %sign3A_120 : i1 to i32
      %sign3A_122 = arith.subi %sign3A_118, %sign3A_121 : i32
      %sign3A_123 = arith.constant 0 : i32
      %sign3A_124 = arith.cmpi sgt, %jit3A, %sign3A_123 : i32
      %sign3A_125 = arith.extui %sign3A_124 : i1 to i32
      %sign3A_126 = arith.constant 0 : i32
      %sign3A_127 = arith.cmpi slt, %jit3A, %sign3A_126 : i32
      %sign3A_128 = arith.extui %sign3A_127 : i1 to i32
      %sign3A_129 = arith.subi %sign3A_125, %sign3A_128 : i32
      %ne3A = arith.cmpi ne, %sign3A_122, %sign3A_129 : i32
      %rem3A = arith.remsi %add3A_116, %jit3A : i32
      %ne3A_130 = arith.constant 0 : i32
      %ne3A_131 = arith.cmpi ne, %rem3A, %ne3A_130 : i32
      %and3A = arith.andi %ne3A, %ne3A_131 : i1
      %sub3A_132 = arith.constant 1 : i32
      %sub3A_133 = arith.subi %div3A, %sub3A_132 : i32
      %select_n3A = arith.select %and3A, %sub3A_133, %div3A : i32
      %mul3A_134 = arith.constant 128 : i32
      %mul3A_135 = arith.muli %add3A, %mul3A_134 : i32
      %add3A_136 = arith.addi %mul3A_135, %add3A_80 : i32
      %jit3A_137 = arith.constant 8 : i32
      %eq3A = arith.constant 0 : i32
      %eq3A_138 = arith.cmpi eq, %jit3A_137, %eq3A : i32
      %jit3A_139 = arith.constant 1 : i32
      %select_n3A_140 = arith.select %eq3A_138, %jit3A_139, %jit3A_137 : i32
      %rem3A_141 = arith.remsi %add3A_136, %select_n3A_140 : i32
      %ne3A_142 = arith.constant 0 : i32
      %ne3A_143 = arith.cmpi ne, %rem3A_141, %ne3A_142 : i32
      %lt3A_144 = arith.constant 0 : i32
      %lt3A_145 = arith.cmpi slt, %rem3A_141, %lt3A_144 : i32
      %lt3A_146 = arith.constant 0 : i32
      %lt3A_147 = arith.cmpi slt, %select_n3A_140, %lt3A_146 : i32
      %ne3A_148 = arith.xori %lt3A_145, %lt3A_147 : i1
      %and3A_149 = arith.andi %ne3A_148, %ne3A_143 : i1
      %add3A_150 = arith.addi %rem3A_141, %select_n3A_140 : i32
      %select_n3A_151 = arith.select %and3A_149, %add3A_150, %rem3A_141 : i32
      %dma_start3A_152 = arith.constant 0 : i32
      %dma_start3A_153 = arith.constant 0 : i32
      %dma_start3A_154 = arith.constant 0 : i32
      %dma_start3A_155 = arith.constant 0 : i32
      %dma_start3A_156 = tpu.memref_slice %arg7[%dma_start3A_152, %dma_start3A_154, %dma_start3A_155] : memref<2x100x128xf32, #tpu.memory_space<vmem>> -> memref<1x100x128xf32, #tpu.memory_space<vmem>>
      %dma_start3A_157 = tpu.memref_squeeze %dma_start3A_156 : memref<1x100x128xf32, #tpu.memory_space<vmem>> -> memref<100x128xf32, #tpu.memory_space<vmem>>
      %dma_start3A_158 = arith.constant 0 : i32
      %dma_start3A_159 = arith.constant 0 : i32
      %dma_start3A_160 = tpu.memref_slice %arg4[%select_n3A, %dma_start3A_158, %select_n3A_151, %dma_start3A_159] : memref<512x100x8x128xf32, #tpu.memory_space<hbm>> -> memref<1x100x1x128xf32, #tpu.memory_space<hbm>>
      %dma_start3A_161 = tpu.memref_squeeze %dma_start3A_160 : memref<1x100x1x128xf32, #tpu.memory_space<hbm>> -> memref<100x128xf32, #tpu.memory_space<hbm>>
      %dma_start3A_162 = tpu.memref_slice %arg9[%dma_start3A_153] : memref<2x!tpu.dma_semaphore, #tpu.memory_space<semaphore_mem>> -> memref<1x!tpu.dma_semaphore, #tpu.memory_space<semaphore_mem>>
      %dma_start3A_163 = tpu.memref_squeeze %dma_start3A_162 : memref<1x!tpu.dma_semaphore, #tpu.memory_space<semaphore_mem>> -> memref<!tpu.dma_semaphore, #tpu.memory_space<semaphore_mem>>
      %dma_start3A_164 = arith.constant 0 : i32
      %dma_start3A_165 = arith.constant 0 : i32
      %dma_start3A_166 = tpu.memref_slice %arg4[%select_n3A, %dma_start3A_164, %select_n3A_151, %dma_start3A_165] : memref<512x100x8x128xf32, #tpu.memory_space<hbm>> -> memref<1x100x1x128xf32, #tpu.memory_space<hbm>>
      %dma_start3A_167 = tpu.memref_squeeze %dma_start3A_166 : memref<1x100x1x128xf32, #tpu.memory_space<hbm>> -> memref<100x128xf32, #tpu.memory_space<hbm>>
      %dma_start3A_168 = arith.constant 0 : i32
      %dma_start3A_169 = arith.constant 0 : i32
      %dma_start3A_170 = tpu.memref_slice %arg7[%dma_start3A_152, %dma_start3A_168, %dma_start3A_169] : memref<2x100x128xf32, #tpu.memory_space<vmem>> -> memref<1x100x128xf32, #tpu.memory_space<vmem>>
      %dma_start3A_171 = tpu.memref_squeeze %dma_start3A_170 : memref<1x100x128xf32, #tpu.memory_space<vmem>> -> memref<100x128xf32, #tpu.memory_space<vmem>>
      tpu.enqueue_dma source(%dma_start3A_171 : memref<100x128xf32, #tpu.memory_space<vmem>>) target(%dma_start3A_167 : memref<100x128xf32, #tpu.memory_space<hbm>>) target_semaphore(%dma_start3A_163 : memref<!tpu.dma_semaphore, #tpu.memory_space<semaphore_mem>>)
      %mul3A_172 = arith.constant 2 : i32
      %mul3A_173 = arith.muli %scan3A_76, %mul3A_172 : i32
      %add3A_174 = arith.constant 1 : i32
      %add3A_175 = arith.addi %mul3A_173, %add3A_174 : i32
      %add3A_176 = arith.constant 2 : i32
      %add3A_177 = arith.addi %add3A_175, %add3A_176 : i32
      %sub3A_178 = arith.constant 1 : i32
      %sub3A_179 = arith.subi %add3A_177, %sub3A_178 : i32
      %lt3A_180 = arith.constant 128 : i32
      %lt3A_181 = arith.cmpi slt, %sub3A_179, %lt3A_180 : i32
      %convert_element_type3A_182 = arith.extui %lt3A_181 : i1 to i32
      %cond3A_183 = arith.constant 0 : i32
      %cond3A_184 = arith.cmpi ne, %convert_element_type3A_182, %cond3A_183 : i32
      scf.if %cond3A_184 {
        %add3A_280 = arith.constant 2 : i32
        %add3A_281 = arith.addi %add3A_175, %add3A_280 : i32
        %sub3A_282 = arith.constant 1 : i32
        %sub3A_283 = arith.subi %add3A_281, %sub3A_282 : i32
        %mul3A_284 = arith.constant 200 : i32
        %mul3A_285 = arith.muli %sub3A_283, %mul3A_284 : i32
        %dma_start3A_286 = arith.constant 0 : i32
        %dma_start3A_287 = arith.constant 0 : i32
        %dma_start3A_288 = arith.constant 0 : i32
        %dma_start3A_289 = arith.constant 0 : i32
        %dma_start3A_290 = tpu.memref_slice %arg6[%dma_start3A_286, %dma_start3A_288, %dma_start3A_289] : memref<2x200x64xf32, #tpu.memory_space<vmem>> -> memref<1x128x64xf32, #tpu.memory_space<vmem>>
        %dma_start3A_291 = tpu.memref_squeeze %dma_start3A_290 : memref<1x128x64xf32, #tpu.memory_space<vmem>> -> memref<128x64xf32, #tpu.memory_space<vmem>>
        %dma_start3A_292 = tpu.memref_slice %arg5[%mul3A_285] : memref<25600xi32, #tpu.memory_space<vmem>> -> memref<128xi32, #tpu.memory_space<vmem>>
        %dma_start3A_293 = arith.constant 0 : i32
        %dma_start3A_294 = arith.constant 0 : i32
        %dma_start3A_295 = tpu.memref_slice %arg3[%dma_start3A_293, %dma_start3A_294] : memref<1000000x64xf32, #tpu.memory_space<hbm>> -> memref<1000000x64xf32, #tpu.memory_space<hbm>>
        %dma_start3A_296 = tpu.memref_slice %arg8[%dma_start3A_287] : memref<2x!tpu.dma_semaphore, #tpu.memory_space<semaphore_mem>> -> memref<1x!tpu.dma_semaphore, #tpu.memory_space<semaphore_mem>>
        %dma_start3A_297 = tpu.memref_squeeze %dma_start3A_296 : memref<1x!tpu.dma_semaphore, #tpu.memory_space<semaphore_mem>> -> memref<!tpu.dma_semaphore, #tpu.memory_space<semaphore_mem>>
        tpu.enqueue_indirect_dma source(%dma_start3A_295 : memref<1000000x64xf32, #tpu.memory_space<hbm>>) target(%dma_start3A_291 : memref<128x64xf32, #tpu.memory_space<vmem>>) offsets(%dma_start3A_292 : memref<128xi32, #tpu.memory_space<vmem>>) semaphore(%dma_start3A_297 : memref<!tpu.dma_semaphore, #tpu.memory_space<semaphore_mem>>)
        %add3A_298 = arith.constant 128 : i32
        %add3A_299 = arith.addi %mul3A_285, %add3A_298 : i32
        %dma_start3A_300 = arith.constant 0 : i32
        %dma_start3A_301 = arith.constant 0 : i32
        %dma_start3A_302 = arith.constant 128 : i32
        %dma_start3A_303 = arith.constant 0 : i32
        %dma_start3A_304 = tpu.memref_slice %arg6[%dma_start3A_300, %dma_start3A_302, %dma_start3A_303] : memref<2x200x64xf32, #tpu.memory_space<vmem>> -> memref<1x72x64xf32, #tpu.memory_space<vmem>>
        %dma_start3A_305 = tpu.memref_squeeze %dma_start3A_304 : memref<1x72x64xf32, #tpu.memory_space<vmem>> -> memref<72x64xf32, #tpu.memory_space<vmem>>
        %dma_start3A_306 = tpu.memref_slice %arg5[%add3A_299] : memref<25600xi32, #tpu.memory_space<vmem>> -> memref<72xi32, #tpu.memory_space<vmem>>
        %dma_start3A_307 = arith.constant 0 : i32
        %dma_start3A_308 = arith.constant 0 : i32
        %dma_start3A_309 = tpu.memref_slice %arg3[%dma_start3A_307, %dma_start3A_308] : memref<1000000x64xf32, #tpu.memory_space<hbm>> -> memref<1000000x64xf32, #tpu.memory_space<hbm>>
        %dma_start3A_310 = tpu.memref_slice %arg8[%dma_start3A_301] : memref<2x!tpu.dma_semaphore, #tpu.memory_space<semaphore_mem>> -> memref<1x!tpu.dma_semaphore, #tpu.memory_space<semaphore_mem>>
        %dma_start3A_311 = tpu.memref_squeeze %dma_start3A_310 : memref<1x!tpu.dma_semaphore, #tpu.memory_space<semaphore_mem>> -> memref<!tpu.dma_semaphore, #tpu.memory_space<semaphore_mem>>
        tpu.enqueue_indirect_dma source(%dma_start3A_309 : memref<1000000x64xf32, #tpu.memory_space<hbm>>) target(%dma_start3A_305 : memref<72x64xf32, #tpu.memory_space<vmem>>) offsets(%dma_start3A_306 : memref<72xi32, #tpu.memory_space<vmem>>) semaphore(%dma_start3A_311 : memref<!tpu.dma_semaphore, #tpu.memory_space<semaphore_mem>>)
      } else {
      }
      %dma_wait3A_185 = arith.constant 1 : i32
      %dma_wait3A_186 = arith.constant 1 : i32
      %dma_wait3A_187 = arith.constant 0 : i32
      %dma_wait3A_188 = arith.constant 0 : i32
      %dma_wait3A_189 = tpu.memref_slice %arg6[%dma_wait3A_185, %dma_wait3A_187, %dma_wait3A_188] : memref<2x200x64xf32, #tpu.memory_space<vmem>> -> memref<1x200x64xf32, #tpu.memory_space<vmem>>
      %dma_wait3A_190 = tpu.memref_squeeze %dma_wait3A_189 : memref<1x200x64xf32, #tpu.memory_space<vmem>> -> memref<200x64xf32, #tpu.memory_space<vmem>>
      %dma_wait3A_191 = arith.constant 0 : i32
      %dma_wait3A_192 = arith.constant 0 : i32
      %dma_wait3A_193 = tpu.memref_slice %arg3[%dma_wait3A_191, %dma_wait3A_192] : memref<1000000x64xf32, #tpu.memory_space<hbm>> -> memref<200x64xf32, #tpu.memory_space<hbm>>
      %dma_wait3A_194 = tpu.memref_slice %arg8[%dma_wait3A_186] : memref<2x!tpu.dma_semaphore, #tpu.memory_space<semaphore_mem>> -> memref<1x!tpu.dma_semaphore, #tpu.memory_space<semaphore_mem>>
      %dma_wait3A_195 = tpu.memref_squeeze %dma_wait3A_194 : memref<1x!tpu.dma_semaphore, #tpu.memory_space<semaphore_mem>> -> memref<!tpu.dma_semaphore, #tpu.memory_space<semaphore_mem>>
      %dma_wait3A_196 = arith.constant 0 : i32
      %dma_wait3A_197 = arith.constant 0 : i32
      %dma_wait3A_198 = tpu.memref_slice %arg6[%dma_wait3A_185, %dma_wait3A_196, %dma_wait3A_197] : memref<2x200x64xf32, #tpu.memory_space<vmem>> -> memref<1x200x64xf32, #tpu.memory_space<vmem>>
      %dma_wait3A_199 = tpu.memref_squeeze %dma_wait3A_198 : memref<1x200x64xf32, #tpu.memory_space<vmem>> -> memref<200x64xf32, #tpu.memory_space<vmem>>
      %dma_wait3A_200 = arith.constant 0 : i32
      %dma_wait3A_201 = arith.constant 0 : i32
      %dma_wait3A_202 = tpu.memref_slice %arg3[%dma_wait3A_200, %dma_wait3A_201] : memref<1000000x64xf32, #tpu.memory_space<hbm>> -> memref<200x64xf32, #tpu.memory_space<hbm>>
      tpu.wait_dma2 semaphore(%dma_wait3A_195 : memref<!tpu.dma_semaphore, #tpu.memory_space<semaphore_mem>>) src(%dma_wait3A_202 : memref<200x64xf32, #tpu.memory_space<hbm>>) dst(%dma_wait3A_199 : memref<200x64xf32, #tpu.memory_space<vmem>>)
      %ge3A_203 = arith.constant 2 : i32
      %ge3A_204 = arith.cmpi sge, %add3A_175, %ge3A_203 : i32
      %convert_element_type3A_205 = arith.extui %ge3A_204 : i1 to i32
      %cond3A_206 = arith.constant 0 : i32
      %cond3A_207 = arith.cmpi ne, %convert_element_type3A_205, %cond3A_206 : i32
      scf.if %cond3A_207 {
        %dma_wait3A_280 = arith.constant 1 : i32
        %dma_wait3A_281 = arith.constant 0 : i32
        %dma_wait3A_282 = arith.constant 0 : i32
        %dma_wait3A_283 = arith.constant 1 : i32
        %dma_wait3A_284 = arith.constant 0 : i32
        %dma_wait3A_285 = arith.constant 0 : i32
        %dma_wait3A_286 = tpu.memref_slice %arg7[%dma_wait3A_280, %dma_wait3A_284, %dma_wait3A_285] : memref<2x100x128xf32, #tpu.memory_space<vmem>> -> memref<1x100x128xf32, #tpu.memory_space<vmem>>
        %dma_wait3A_287 = tpu.memref_squeeze %dma_wait3A_286 : memref<1x100x128xf32, #tpu.memory_space<vmem>> -> memref<100x128xf32, #tpu.memory_space<vmem>>
        %dma_wait3A_288 = arith.constant 0 : i32
        %dma_wait3A_289 = arith.constant 0 : i32
        %dma_wait3A_290 = tpu.memref_slice %arg4[%dma_wait3A_281, %dma_wait3A_288, %dma_wait3A_282, %dma_wait3A_289] : memref<512x100x8x128xf32, #tpu.memory_space<hbm>> -> memref<1x100x1x128xf32, #tpu.memory_space<hbm>>
        %dma_wait3A_291 = tpu.memref_squeeze %dma_wait3A_290 : memref<1x100x1x128xf32, #tpu.memory_space<hbm>> -> memref<100x128xf32, #tpu.memory_space<hbm>>
        %dma_wait3A_292 = tpu.memref_slice %arg9[%dma_wait3A_283] : memref<2x!tpu.dma_semaphore, #tpu.memory_space<semaphore_mem>> -> memref<1x!tpu.dma_semaphore, #tpu.memory_space<semaphore_mem>>
        %dma_wait3A_293 = tpu.memref_squeeze %dma_wait3A_292 : memref<1x!tpu.dma_semaphore, #tpu.memory_space<semaphore_mem>> -> memref<!tpu.dma_semaphore, #tpu.memory_space<semaphore_mem>>
        %dma_wait3A_294 = arith.constant 0 : i32
        %dma_wait3A_295 = arith.constant 0 : i32
        %dma_wait3A_296 = tpu.memref_slice %arg4[%dma_wait3A_281, %dma_wait3A_294, %dma_wait3A_282, %dma_wait3A_295] : memref<512x100x8x128xf32, #tpu.memory_space<hbm>> -> memref<1x100x1x128xf32, #tpu.memory_space<hbm>>
        %dma_wait3A_297 = tpu.memref_squeeze %dma_wait3A_296 : memref<1x100x1x128xf32, #tpu.memory_space<hbm>> -> memref<100x128xf32, #tpu.memory_space<hbm>>
        %dma_wait3A_298 = arith.constant 0 : i32
        %dma_wait3A_299 = arith.constant 0 : i32
        %dma_wait3A_300 = tpu.memref_slice %arg7[%dma_wait3A_280, %dma_wait3A_298, %dma_wait3A_299] : memref<2x100x128xf32, #tpu.memory_space<vmem>> -> memref<1x100x128xf32, #tpu.memory_space<vmem>>
        %dma_wait3A_301 = tpu.memref_squeeze %dma_wait3A_300 : memref<1x100x128xf32, #tpu.memory_space<vmem>> -> memref<100x128xf32, #tpu.memory_space<vmem>>
        tpu.wait_dma2 semaphore(%dma_wait3A_293 : memref<!tpu.dma_semaphore, #tpu.memory_space<semaphore_mem>>) src(%dma_wait3A_301 : memref<100x128xf32, #tpu.memory_space<vmem>>) dst(%dma_wait3A_297 : memref<100x128xf32, #tpu.memory_space<hbm>>)
      } else {
      }
      %scan3A_208 = arith.constant 0 : i32
      %scan3A_209 = arith.constant 0 : i32
      %scan3A_210 = arith.constant 25 : i32
      %scan3A_211 = arith.addi %scan3A_209, %scan3A_210 : i32
      %scan3A_212 = arith.constant 1 : i32
      scf.for %scan3A_280 = %scan3A_209 to %scan3A_211 step %scan3A_212  : i32 {
        %mul3A_281 = arith.constant 8 : i32
        %mul3A_282 = arith.muli %scan3A_280, %mul3A_281 : i32
        %add3A_283 = arith.constant 0 : i32
        %add3A_284 = arith.addi %mul3A_282, %add3A_283 : i32
        %mul3A_285 = arith.constant 4 : i32
        %mul3A_286 = arith.muli %scan3A_280, %mul3A_285 : i32
        %get3A = arith.constant 1 : i32
        %get3A_287 = arith.index_cast %get3A : i32 to index
        %get3A_288 = arith.index_cast %add3A_284 : i32 to index
        %get3A_289 = arith.constant 0 : index
        %get3A_290 = tpu.vector_load %arg6[%get3A_287, %get3A_288, %get3A_289] {strides = array<i32>} : memref<2x200x64xf32, #tpu.memory_space<vmem>>, vector<16xf32>,
        %mul3A_291 = arith.constant 8.000000e+00 : f32
        %mul3A_292 = vector.broadcast %mul3A_291 : f32 to vector<16xf32>
        %mul3A_293 = arith.mulf %get3A_290, %mul3A_292 : vector<16xf32>
        %add3A_294 = arith.constant 0 : i32
        %add3A_295 = arith.addi %mul3A_286, %add3A_294 : i32
        %swap3A = arith.constant 1 : i32
        %swap3A_296 = arith.index_cast %swap3A : i32 to index
        %swap3A_297 = arith.index_cast %add3A_295 : i32 to index
        %swap3A_298 = arith.constant 0 : index
        %swap3A_299 = tpu.vector_load %arg7[%swap3A_296, %swap3A_297, %swap3A_298] {strides = array<i32>} : memref<2x100x128xf32, #tpu.memory_space<vmem>>, vector<16xf32>,
        tpu.vector_store %arg7[%swap3A_296, %swap3A_297, %swap3A_298], %mul3A_293 {strides = array<i32>} : memref<2x100x128xf32, #tpu.memory_space<vmem>>, vector<16xf32>,
        %get3A_300 = arith.constant 1 : i32
        %get3A_301 = arith.index_cast %get3A_300 : i32 to index
        %get3A_302 = arith.index_cast %add3A_284 : i32 to index
        %get3A_303 = arith.constant 16 : index
        %get3A_304 = tpu.vector_load %arg6[%get3A_301, %get3A_302, %get3A_303] {strides = array<i32>} : memref<2x200x64xf32, #tpu.memory_space<vmem>>, vector<16xf32>,
        %mul3A_305 = arith.constant 8.000000e+00 : f32
        %mul3A_306 = vector.broadcast %mul3A_305 : f32 to vector<16xf32>
        %mul3A_307 = arith.mulf %get3A_304, %mul3A_306 : vector<16xf32>
        %add3A_308 = arith.constant 0 : i32
        %add3A_309 = arith.addi %mul3A_286, %add3A_308 : i32
        %swap3A_310 = arith.constant 1 : i32
        %swap3A_311 = arith.index_cast %swap3A_310 : i32 to index
        %swap3A_312 = arith.index_cast %add3A_309 : i32 to index
        %swap3A_313 = arith.constant 16 : index
        %swap3A_314 = tpu.vector_load %arg7[%swap3A_311, %swap3A_312, %swap3A_313] {strides = array<i32>} : memref<2x100x128xf32, #tpu.memory_space<vmem>>, vector<16xf32>,
        tpu.vector_store %arg7[%swap3A_311, %swap3A_312, %swap3A_313], %mul3A_307 {strides = array<i32>} : memref<2x100x128xf32, #tpu.memory_space<vmem>>, vector<16xf32>,
        %get3A_315 = arith.constant 1 : i32
        %get3A_316 = arith.index_cast %get3A_315 : i32 to index
        %get3A_317 = arith.index_cast %add3A_284 : i32 to index
        %get3A_318 = arith.constant 32 : index
        %get3A_319 = tpu.vector_load %arg6[%get3A_316, %get3A_317, %get3A_318] {strides = array<i32>} : memref<2x200x64xf32, #tpu.memory_space<vmem>>, vector<16xf32>,
        %mul3A_320 = arith.constant 8.000000e+00 : f32
        %mul3A_321 = vector.broadcast %mul3A_320 : f32 to vector<16xf32>
        %mul3A_322 = arith.mulf %get3A_319, %mul3A_321 : vector<16xf32>
        %add3A_323 = arith.constant 0 : i32
        %add3A_324 = arith.addi %mul3A_286, %add3A_323 : i32
        %swap3A_325 = arith.constant 1 : i32
        %swap3A_326 = arith.index_cast %swap3A_325 : i32 to index
        %swap3A_327 = arith.index_cast %add3A_324 : i32 to index
        %swap3A_328 = arith.constant 32 : index
        %swap3A_329 = tpu.vector_load %arg7[%swap3A_326, %swap3A_327, %swap3A_328] {strides = array<i32>} : memref<2x100x128xf32, #tpu.memory_space<vmem>>, vector<16xf32>,
        tpu.vector_store %arg7[%swap3A_326, %swap3A_327, %swap3A_328], %mul3A_322 {strides = array<i32>} : memref<2x100x128xf32, #tpu.memory_space<vmem>>, vector<16xf32>,
        %get3A_330 = arith.constant 1 : i32
        %get3A_331 = arith.index_cast %get3A_330 : i32 to index
        %get3A_332 = arith.index_cast %add3A_284 : i32 to index
        %get3A_333 = arith.constant 48 : index
        %get3A_334 = tpu.vector_load %arg6[%get3A_331, %get3A_332, %get3A_333] {strides = array<i32>} : memref<2x200x64xf32, #tpu.memory_space<vmem>>, vector<16xf32>,
        %mul3A_335 = arith.constant 8.000000e+00 : f32
        %mul3A_336 = vector.broadcast %mul3A_335 : f32 to vector<16xf32>
        %mul3A_337 = arith.mulf %get3A_334, %mul3A_336 : vector<16xf32>
        %add3A_338 = arith.constant 0 : i32
        %add3A_339 = arith.addi %mul3A_286, %add3A_338 : i32
        %swap3A_340 = arith.constant 1 : i32
        %swap3A_341 = arith.index_cast %swap3A_340 : i32 to index
        %swap3A_342 = arith.index_cast %add3A_339 : i32 to index
        %swap3A_343 = arith.constant 48 : index
        %swap3A_344 = tpu.vector_load %arg7[%swap3A_341, %swap3A_342, %swap3A_343] {strides = array<i32>} : memref<2x100x128xf32, #tpu.memory_space<vmem>>, vector<16xf32>,
        tpu.vector_store %arg7[%swap3A_341, %swap3A_342, %swap3A_343], %mul3A_337 {strides = array<i32>} : memref<2x100x128xf32, #tpu.memory_space<vmem>>, vector<16xf32>,
        %mul3A_345 = arith.constant 8 : i32
        %mul3A_346 = arith.muli %scan3A_280, %mul3A_345 : i32
        %add3A_347 = arith.constant 1 : i32
        %add3A_348 = arith.addi %mul3A_346, %add3A_347 : i32
        %mul3A_349 = arith.constant 4 : i32
        %mul3A_350 = arith.muli %scan3A_280, %mul3A_349 : i32
        %get3A_351 = arith.constant 1 : i32
        %get3A_352 = arith.index_cast %get3A_351 : i32 to index
        %get3A_353 = arith.index_cast %add3A_348 : i32 to index
        %get3A_354 = arith.constant 0 : index
        %get3A_355 = tpu.vector_load %arg6[%get3A_352, %get3A_353, %get3A_354] {strides = array<i32>} : memref<2x200x64xf32, #tpu.memory_space<vmem>>, vector<16xf32>,
        %mul3A_356 = arith.constant 8.000000e+00 : f32
        %mul3A_357 = vector.broadcast %mul3A_356 : f32 to vector<16xf32>
        %mul3A_358 = arith.mulf %get3A_355, %mul3A_357 : vector<16xf32>
        %add3A_359 = arith.constant 0 : i32
        %add3A_360 = arith.addi %mul3A_350, %add3A_359 : i32
        %swap3A_361 = arith.constant 1 : i32
        %swap3A_362 = arith.index_cast %swap3A_361 : i32 to index
        %swap3A_363 = arith.index_cast %add3A_360 : i32 to index
        %swap3A_364 = arith.constant 64 : index
        %swap3A_365 = tpu.vector_load %arg7[%swap3A_362, %swap3A_363, %swap3A_364] {strides = array<i32>} : memref<2x100x128xf32, #tpu.memory_space<vmem>>, vector<16xf32>,
        tpu.vector_store %arg7[%swap3A_362, %swap3A_363, %swap3A_364], %mul3A_358 {strides = array<i32>} : memref<2x100x128xf32, #tpu.memory_space<vmem>>, vector<16xf32>,
        %get3A_366 = arith.constant 1 : i32
        %get3A_367 = arith.index_cast %get3A_366 : i32 to index
        %get3A_368 = arith.index_cast %add3A_348 : i32 to index
        %get3A_369 = arith.constant 16 : index
        %get3A_370 = tpu.vector_load %arg6[%get3A_367, %get3A_368, %get3A_369] {strides = array<i32>} : memref<2x200x64xf32, #tpu.memory_space<vmem>>, vector<16xf32>,
        %mul3A_371 = arith.constant 8.000000e+00 : f32
        %mul3A_372 = vector.broadcast %mul3A_371 : f32 to vector<16xf32>
        %mul3A_373 = arith.mulf %get3A_370, %mul3A_372 : vector<16xf32>
        %add3A_374 = arith.constant 0 : i32
        %add3A_375 = arith.addi %mul3A_350, %add3A_374 : i32
        %swap3A_376 = arith.constant 1 : i32
        %swap3A_377 = arith.index_cast %swap3A_376 : i32 to index
        %swap3A_378 = arith.index_cast %add3A_375 : i32 to index
        %swap3A_379 = arith.constant 80 : index
        %swap3A_380 = tpu.vector_load %arg7[%swap3A_377, %swap3A_378, %swap3A_379] {strides = array<i32>} : memref<2x100x128xf32, #tpu.memory_space<vmem>>, vector<16xf32>,
        tpu.vector_store %arg7[%swap3A_377, %swap3A_378, %swap3A_379], %mul3A_373 {strides = array<i32>} : memref<2x100x128xf32, #tpu.memory_space<vmem>>, vector<16xf32>,
        %get3A_381 = arith.constant 1 : i32
        %get3A_382 = arith.index_cast %get3A_381 : i32 to index
        %get3A_383 = arith.index_cast %add3A_348 : i32 to index
        %get3A_384 = arith.constant 32 : index
        %get3A_385 = tpu.vector_load %arg6[%get3A_382, %get3A_383, %get3A_384] {strides = array<i32>} : memref<2x200x64xf32, #tpu.memory_space<vmem>>, vector<16xf32>,
        %mul3A_386 = arith.constant 8.000000e+00 : f32
        %mul3A_387 = vector.broadcast %mul3A_386 : f32 to vector<16xf32>
        %mul3A_388 = arith.mulf %get3A_385, %mul3A_387 : vector<16xf32>
        %add3A_389 = arith.constant 0 : i32
        %add3A_390 = arith.addi %mul3A_350, %add3A_389 : i32
        %swap3A_391 = arith.constant 1 : i32
        %swap3A_392 = arith.index_cast %swap3A_391 : i32 to index
        %swap3A_393 = arith.index_cast %add3A_390 : i32 to index
        %swap3A_394 = arith.constant 96 : index
        %swap3A_395 = tpu.vector_load %arg7[%swap3A_392, %swap3A_393, %swap3A_394] {strides = array<i32>} : memref<2x100x128xf32, #tpu.memory_space<vmem>>, vector<16xf32>,
        tpu.vector_store %arg7[%swap3A_392, %swap3A_393, %swap3A_394], %mul3A_388 {strides = array<i32>} : memref<2x100x128xf32, #tpu.memory_space<vmem>>, vector<16xf32>,
        %get3A_396 = arith.constant 1 : i32
        %get3A_397 = arith.index_cast %get3A_396 : i32 to index
        %get3A_398 = arith.index_cast %add3A_348 : i32 to index
        %get3A_399 = arith.constant 48 : index
        %get3A_400 = tpu.vector_load %arg6[%get3A_397, %get3A_398, %get3A_399] {strides = array<i32>} : memref<2x200x64xf32, #tpu.memory_space<vmem>>, vector<16xf32>,
        %mul3A_401 = arith.constant 8.000000e+00 : f32
        %mul3A_402 = vector.broadcast %mul3A_401 : f32 to vector<16xf32>
        %mul3A_403 = arith.mulf %get3A_400, %mul3A_402 : vector<16xf32>
        %add3A_404 = arith.constant 0 : i32
        %add3A_405 = arith.addi %mul3A_350, %add3A_404 : i32
        %swap3A_406 = arith.constant 1 : i32
        %swap3A_407 = arith.index_cast %swap3A_406 : i32 to index
        %swap3A_408 = arith.index_cast %add3A_405 : i32 to index
        %swap3A_409 = arith.constant 112 : index
        %swap3A_410 = tpu.vector_load %arg7[%swap3A_407, %swap3A_408, %swap3A_409] {strides = array<i32>} : memref<2x100x128xf32, #tpu.memory_space<vmem>>, vector<16xf32>,
        tpu.vector_store %arg7[%swap3A_407, %swap3A_408, %swap3A_409], %mul3A_403 {strides = array<i32>} : memref<2x100x128xf32, #tpu.memory_space<vmem>>, vector<16xf32>,
        %mul3A_411 = arith.constant 8 : i32
        %mul3A_412 = arith.muli %scan3A_280, %mul3A_411 : i32
        %add3A_413 = arith.constant 2 : i32
        %add3A_414 = arith.addi %mul3A_412, %add3A_413 : i32
        %mul3A_415 = arith.constant 4 : i32
        %mul3A_416 = arith.muli %scan3A_280, %mul3A_415 : i32
        %get3A_417 = arith.constant 1 : i32
        %get3A_418 = arith.index_cast %get3A_417 : i32 to index
        %get3A_419 = arith.index_cast %add3A_414 : i32 to index
        %get3A_420 = arith.constant 0 : index
        %get3A_421 = tpu.vector_load %arg6[%get3A_418, %get3A_419, %get3A_420] {strides = array<i32>} : memref<2x200x64xf32, #tpu.memory_space<vmem>>, vector<16xf32>,
        %mul3A_422 = arith.constant 8.000000e+00 : f32
        %mul3A_423 = vector.broadcast %mul3A_422 : f32 to vector<16xf32>
        %mul3A_424 = arith.mulf %get3A_421, %mul3A_423 : vector<16xf32>
        %add3A_425 = arith.constant 1 : i32
        %add3A_426 = arith.addi %mul3A_416, %add3A_425 : i32
        %swap3A_427 = arith.constant 1 : i32
        %swap3A_428 = arith.index_cast %swap3A_427 : i32 to index
        %swap3A_429 = arith.index_cast %add3A_426 : i32 to index
        %swap3A_430 = arith.constant 0 : index
        %swap3A_431 = tpu.vector_load %arg7[%swap3A_428, %swap3A_429, %swap3A_430] {strides = array<i32>} : memref<2x100x128xf32, #tpu.memory_space<vmem>>, vector<16xf32>,
        tpu.vector_store %arg7[%swap3A_428, %swap3A_429, %swap3A_430], %mul3A_424 {strides = array<i32>} : memref<2x100x128xf32, #tpu.memory_space<vmem>>, vector<16xf32>,
        %get3A_432 = arith.constant 1 : i32
        %get3A_433 = arith.index_cast %get3A_432 : i32 to index
        %get3A_434 = arith.index_cast %add3A_414 : i32 to index
        %get3A_435 = arith.constant 16 : index
        %get3A_436 = tpu.vector_load %arg6[%get3A_433, %get3A_434, %get3A_435] {strides = array<i32>} : memref<2x200x64xf32, #tpu.memory_space<vmem>>, vector<16xf32>,
        %mul3A_437 = arith.constant 8.000000e+00 : f32
        %mul3A_438 = vector.broadcast %mul3A_437 : f32 to vector<16xf32>
        %mul3A_439 = arith.mulf %get3A_436, %mul3A_438 : vector<16xf32>
        %add3A_440 = arith.constant 1 : i32
        %add3A_441 = arith.addi %mul3A_416, %add3A_440 : i32
        %swap3A_442 = arith.constant 1 : i32
        %swap3A_443 = arith.index_cast %swap3A_442 : i32 to index
        %swap3A_444 = arith.index_cast %add3A_441 : i32 to index
        %swap3A_445 = arith.constant 16 : index
        %swap3A_446 = tpu.vector_load %arg7[%swap3A_443, %swap3A_444, %swap3A_445] {strides = array<i32>} : memref<2x100x128xf32, #tpu.memory_space<vmem>>, vector<16xf32>,
        tpu.vector_store %arg7[%swap3A_443, %swap3A_444, %swap3A_445], %mul3A_439 {strides = array<i32>} : memref<2x100x128xf32, #tpu.memory_space<vmem>>, vector<16xf32>,
        %get3A_447 = arith.constant 1 : i32
        %get3A_448 = arith.index_cast %get3A_447 : i32 to index
        %get3A_449 = arith.index_cast %add3A_414 : i32 to index
        %get3A_450 = arith.constant 32 : index
        %get3A_451 = tpu.vector_load %arg6[%get3A_448, %get3A_449, %get3A_450] {strides = array<i32>} : memref<2x200x64xf32, #tpu.memory_space<vmem>>, vector<16xf32>,
        %mul3A_452 = arith.constant 8.000000e+00 : f32
        %mul3A_453 = vector.broadcast %mul3A_452 : f32 to vector<16xf32>
        %mul3A_454 = arith.mulf %get3A_451, %mul3A_453 : vector<16xf32>
        %add3A_455 = arith.constant 1 : i32
        %add3A_456 = arith.addi %mul3A_416, %add3A_455 : i32
        %swap3A_457 = arith.constant 1 : i32
        %swap3A_458 = arith.index_cast %swap3A_457 : i32 to index
        %swap3A_459 = arith.index_cast %add3A_456 : i32 to index
        %swap3A_460 = arith.constant 32 : index
        %swap3A_461 = tpu.vector_load %arg7[%swap3A_458, %swap3A_459, %swap3A_460] {strides = array<i32>} : memref<2x100x128xf32, #tpu.memory_space<vmem>>, vector<16xf32>,
        tpu.vector_store %arg7[%swap3A_458, %swap3A_459, %swap3A_460], %mul3A_454 {strides = array<i32>} : memref<2x100x128xf32, #tpu.memory_space<vmem>>, vector<16xf32>,
        %get3A_462 = arith.constant 1 : i32
        %get3A_463 = arith.index_cast %get3A_462 : i32 to index
        %get3A_464 = arith.index_cast %add3A_414 : i32 to index
        %get3A_465 = arith.constant 48 : index
        %get3A_466 = tpu.vector_load %arg6[%get3A_463, %get3A_464, %get3A_465] {strides = array<i32>} : memref<2x200x64xf32, #tpu.memory_space<vmem>>, vector<16xf32>,
        %mul3A_467 = arith.constant 8.000000e+00 : f32
        %mul3A_468 = vector.broadcast %mul3A_467 : f32 to vector<16xf32>
        %mul3A_469 = arith.mulf %get3A_466, %mul3A_468 : vector<16xf32>
        %add3A_470 = arith.constant 1 : i32
        %add3A_471 = arith.addi %mul3A_416, %add3A_470 : i32
        %swap3A_472 = arith.constant 1 : i32
        %swap3A_473 = arith.index_cast %swap3A_472 : i32 to index
        %swap3A_474 = arith.index_cast %add3A_471 : i32 to index
        %swap3A_475 = arith.constant 48 : index
        %swap3A_476 = tpu.vector_load %arg7[%swap3A_473, %swap3A_474, %swap3A_475] {strides = array<i32>} : memref<2x100x128xf32, #tpu.memory_space<vmem>>, vector<16xf32>,
        tpu.vector_store %arg7[%swap3A_473, %swap3A_474, %swap3A_475], %mul3A_469 {strides = array<i32>} : memref<2x100x128xf32, #tpu.memory_space<vmem>>, vector<16xf32>,
        %mul3A_477 = arith.constant 8 : i32
        %mul3A_478 = arith.muli %scan3A_280, %mul3A_477 : i32
        %add3A_479 = arith.constant 3 : i32
        %add3A_480 = arith.addi %mul3A_478, %add3A_479 : i32
        %mul3A_481 = arith.constant 4 : i32
        %mul3A_482 = arith.muli %scan3A_280, %mul3A_481 : i32
        %get3A_483 = arith.constant 1 : i32
        %get3A_484 = arith.index_cast %get3A_483 : i32 to index
        %get3A_485 = arith.index_cast %add3A_480 : i32 to index
        %get3A_486 = arith.constant 0 : index
        %get3A_487 = tpu.vector_load %arg6[%get3A_484, %get3A_485, %get3A_486] {strides = array<i32>} : memref<2x200x64xf32, #tpu.memory_space<vmem>>, vector<16xf32>,
        %mul3A_488 = arith.constant 8.000000e+00 : f32
        %mul3A_489 = vector.broadcast %mul3A_488 : f32 to vector<16xf32>
        %mul3A_490 = arith.mulf %get3A_487, %mul3A_489 : vector<16xf32>
        %add3A_491 = arith.constant 1 : i32
        %add3A_492 = arith.addi %mul3A_482, %add3A_491 : i32
        %swap3A_493 = arith.constant 1 : i32
        %swap3A_494 = arith.index_cast %swap3A_493 : i32 to index
        %swap3A_495 = arith.index_cast %add3A_492 : i32 to index
        %swap3A_496 = arith.constant 64 : index
        %swap3A_497 = tpu.vector_load %arg7[%swap3A_494, %swap3A_495, %swap3A_496] {strides = array<i32>} : memref<2x100x128xf32, #tpu.memory_space<vmem>>, vector<16xf32>,
        tpu.vector_store %arg7[%swap3A_494, %swap3A_495, %swap3A_496], %mul3A_490 {strides = array<i32>} : memref<2x100x128xf32, #tpu.memory_space<vmem>>, vector<16xf32>,
        %get3A_498 = arith.constant 1 : i32
        %get3A_499 = arith.index_cast %get3A_498 : i32 to index
        %get3A_500 = arith.index_cast %add3A_480 : i32 to index
        %get3A_501 = arith.constant 16 : index
        %get3A_502 = tpu.vector_load %arg6[%get3A_499, %get3A_500, %get3A_501] {strides = array<i32>} : memref<2x200x64xf32, #tpu.memory_space<vmem>>, vector<16xf32>,
        %mul3A_503 = arith.constant 8.000000e+00 : f32
        %mul3A_504 = vector.broadcast %mul3A_503 : f32 to vector<16xf32>
        %mul3A_505 = arith.mulf %get3A_502, %mul3A_504 : vector<16xf32>
        %add3A_506 = arith.constant 1 : i32
        %add3A_507 = arith.addi %mul3A_482, %add3A_506 : i32
        %swap3A_508 = arith.constant 1 : i32
        %swap3A_509 = arith.index_cast %swap3A_508 : i32 to index
        %swap3A_510 = arith.index_cast %add3A_507 : i32 to index
        %swap3A_511 = arith.constant 80 : index
        %swap3A_512 = tpu.vector_load %arg7[%swap3A_509, %swap3A_510, %swap3A_511] {strides = array<i32>} : memref<2x100x128xf32, #tpu.memory_space<vmem>>, vector<16xf32>,
        tpu.vector_store %arg7[%swap3A_509, %swap3A_510, %swap3A_511], %mul3A_505 {strides = array<i32>} : memref<2x100x128xf32, #tpu.memory_space<vmem>>, vector<16xf32>,
        %get3A_513 = arith.constant 1 : i32
        %get3A_514 = arith.index_cast %get3A_513 : i32 to index
        %get3A_515 = arith.index_cast %add3A_480 : i32 to index
        %get3A_516 = arith.constant 32 : index
        %get3A_517 = tpu.vector_load %arg6[%get3A_514, %get3A_515, %get3A_516] {strides = array<i32>} : memref<2x200x64xf32, #tpu.memory_space<vmem>>, vector<16xf32>,
        %mul3A_518 = arith.constant 8.000000e+00 : f32
        %mul3A_519 = vector.broadcast %mul3A_518 : f32 to vector<16xf32>
        %mul3A_520 = arith.mulf %get3A_517, %mul3A_519 : vector<16xf32>
        %add3A_521 = arith.constant 1 : i32
        %add3A_522 = arith.addi %mul3A_482, %add3A_521 : i32
        %swap3A_523 = arith.constant 1 : i32
        %swap3A_524 = arith.index_cast %swap3A_523 : i32 to index
        %swap3A_525 = arith.index_cast %add3A_522 : i32 to index
        %swap3A_526 = arith.constant 96 : index
        %swap3A_527 = tpu.vector_load %arg7[%swap3A_524, %swap3A_525, %swap3A_526] {strides = array<i32>} : memref<2x100x128xf32, #tpu.memory_space<vmem>>, vector<16xf32>,
        tpu.vector_store %arg7[%swap3A_524, %swap3A_525, %swap3A_526], %mul3A_520 {strides = array<i32>} : memref<2x100x128xf32, #tpu.memory_space<vmem>>, vector<16xf32>,
        %get3A_528 = arith.constant 1 : i32
        %get3A_529 = arith.index_cast %get3A_528 : i32 to index
        %get3A_530 = arith.index_cast %add3A_480 : i32 to index
        %get3A_531 = arith.constant 48 : index
        %get3A_532 = tpu.vector_load %arg6[%get3A_529, %get3A_530, %get3A_531] {strides = array<i32>} : memref<2x200x64xf32, #tpu.memory_space<vmem>>, vector<16xf32>,
        %mul3A_533 = arith.constant 8.000000e+00 : f32
        %mul3A_534 = vector.broadcast %mul3A_533 : f32 to vector<16xf32>
        %mul3A_535 = arith.mulf %get3A_532, %mul3A_534 : vector<16xf32>
        %add3A_536 = arith.constant 1 : i32
        %add3A_537 = arith.addi %mul3A_482, %add3A_536 : i32
        %swap3A_538 = arith.constant 1 : i32
        %swap3A_539 = arith.index_cast %swap3A_538 : i32 to index
        %swap3A_540 = arith.index_cast %add3A_537 : i32 to index
        %swap3A_541 = arith.constant 112 : index
        %swap3A_542 = tpu.vector_load %arg7[%swap3A_539, %swap3A_540, %swap3A_541] {strides = array<i32>} : memref<2x100x128xf32, #tpu.memory_space<vmem>>, vector<16xf32>,
        tpu.vector_store %arg7[%swap3A_539, %swap3A_540, %swap3A_541], %mul3A_535 {strides = array<i32>} : memref<2x100x128xf32, #tpu.memory_space<vmem>>, vector<16xf32>,
        %mul3A_543 = arith.constant 8 : i32
        %mul3A_544 = arith.muli %scan3A_280, %mul3A_543 : i32
        %add3A_545 = arith.constant 4 : i32
        %add3A_546 = arith.addi %mul3A_544, %add3A_545 : i32
        %mul3A_547 = arith.constant 4 : i32
        %mul3A_548 = arith.muli %scan3A_280, %mul3A_547 : i32
        %get3A_549 = arith.constant 1 : i32
        %get3A_550 = arith.index_cast %get3A_549 : i32 to index
        %get3A_551 = arith.index_cast %add3A_546 : i32 to index
        %get3A_552 = arith.constant 0 : index
        %get3A_553 = tpu.vector_load %arg6[%get3A_550, %get3A_551, %get3A_552] {strides = array<i32>} : memref<2x200x64xf32, #tpu.memory_space<vmem>>, vector<16xf32>,
        %mul3A_554 = arith.constant 8.000000e+00 : f32
        %mul3A_555 = vector.broadcast %mul3A_554 : f32 to vector<16xf32>
        %mul3A_556 = arith.mulf %get3A_553, %mul3A_555 : vector<16xf32>
        %add3A_557 = arith.constant 2 : i32
        %add3A_558 = arith.addi %mul3A_548, %add3A_557 : i32
        %swap3A_559 = arith.constant 1 : i32
        %swap3A_560 = arith.index_cast %swap3A_559 : i32 to index
        %swap3A_561 = arith.index_cast %add3A_558 : i32 to index
        %swap3A_562 = arith.constant 0 : index
        %swap3A_563 = tpu.vector_load %arg7[%swap3A_560, %swap3A_561, %swap3A_562] {strides = array<i32>} : memref<2x100x128xf32, #tpu.memory_space<vmem>>, vector<16xf32>,
        tpu.vector_store %arg7[%swap3A_560, %swap3A_561, %swap3A_562], %mul3A_556 {strides = array<i32>} : memref<2x100x128xf32, #tpu.memory_space<vmem>>, vector<16xf32>,
        %get3A_564 = arith.constant 1 : i32
        %get3A_565 = arith.index_cast %get3A_564 : i32 to index
        %get3A_566 = arith.index_cast %add3A_546 : i32 to index
        %get3A_567 = arith.constant 16 : index
        %get3A_568 = tpu.vector_load %arg6[%get3A_565, %get3A_566, %get3A_567] {strides = array<i32>} : memref<2x200x64xf32, #tpu.memory_space<vmem>>, vector<16xf32>,
        %mul3A_569 = arith.constant 8.000000e+00 : f32
        %mul3A_570 = vector.broadcast %mul3A_569 : f32 to vector<16xf32>
        %mul3A_571 = arith.mulf %get3A_568, %mul3A_570 : vector<16xf32>
        %add3A_572 = arith.constant 2 : i32
        %add3A_573 = arith.addi %mul3A_548, %add3A_572 : i32
        %swap3A_574 = arith.constant 1 : i32
        %swap3A_575 = arith.index_cast %swap3A_574 : i32 to index
        %swap3A_576 = arith.index_cast %add3A_573 : i32 to index
        %swap3A_577 = arith.constant 16 : index
        %swap3A_578 = tpu.vector_load %arg7[%swap3A_575, %swap3A_576, %swap3A_577] {strides = array<i32>} : memref<2x100x128xf32, #tpu.memory_space<vmem>>, vector<16xf32>,
        tpu.vector_store %arg7[%swap3A_575, %swap3A_576, %swap3A_577], %mul3A_571 {strides = array<i32>} : memref<2x100x128xf32, #tpu.memory_space<vmem>>, vector<16xf32>,
        %get3A_579 = arith.constant 1 : i32
        %get3A_580 = arith.index_cast %get3A_579 : i32 to index
        %get3A_581 = arith.index_cast %add3A_546 : i32 to index
        %get3A_582 = arith.constant 32 : index
        %get3A_583 = tpu.vector_load %arg6[%get3A_580, %get3A_581, %get3A_582] {strides = array<i32>} : memref<2x200x64xf32, #tpu.memory_space<vmem>>, vector<16xf32>,
        %mul3A_584 = arith.constant 8.000000e+00 : f32
        %mul3A_585 = vector.broadcast %mul3A_584 : f32 to vector<16xf32>
        %mul3A_586 = arith.mulf %get3A_583, %mul3A_585 : vector<16xf32>
        %add3A_587 = arith.constant 2 : i32
        %add3A_588 = arith.addi %mul3A_548, %add3A_587 : i32
        %swap3A_589 = arith.constant 1 : i32
        %swap3A_590 = arith.index_cast %swap3A_589 : i32 to index
        %swap3A_591 = arith.index_cast %add3A_588 : i32 to index
        %swap3A_592 = arith.constant 32 : index
        %swap3A_593 = tpu.vector_load %arg7[%swap3A_590, %swap3A_591, %swap3A_592] {strides = array<i32>} : memref<2x100x128xf32, #tpu.memory_space<vmem>>, vector<16xf32>,
        tpu.vector_store %arg7[%swap3A_590, %swap3A_591, %swap3A_592], %mul3A_586 {strides = array<i32>} : memref<2x100x128xf32, #tpu.memory_space<vmem>>, vector<16xf32>,
        %get3A_594 = arith.constant 1 : i32
        %get3A_595 = arith.index_cast %get3A_594 : i32 to index
        %get3A_596 = arith.index_cast %add3A_546 : i32 to index
        %get3A_597 = arith.constant 48 : index
        %get3A_598 = tpu.vector_load %arg6[%get3A_595, %get3A_596, %get3A_597] {strides = array<i32>} : memref<2x200x64xf32, #tpu.memory_space<vmem>>, vector<16xf32>,
        %mul3A_599 = arith.constant 8.000000e+00 : f32
        %mul3A_600 = vector.broadcast %mul3A_599 : f32 to vector<16xf32>
        %mul3A_601 = arith.mulf %get3A_598, %mul3A_600 : vector<16xf32>
        %add3A_602 = arith.constant 2 : i32
        %add3A_603 = arith.addi %mul3A_548, %add3A_602 : i32
        %swap3A_604 = arith.constant 1 : i32
        %swap3A_605 = arith.index_cast %swap3A_604 : i32 to index
        %swap3A_606 = arith.index_cast %add3A_603 : i32 to index
        %swap3A_607 = arith.constant 48 : index
        %swap3A_608 = tpu.vector_load %arg7[%swap3A_605, %swap3A_606, %swap3A_607] {strides = array<i32>} : memref<2x100x128xf32, #tpu.memory_space<vmem>>, vector<16xf32>,
        tpu.vector_store %arg7[%swap3A_605, %swap3A_606, %swap3A_607], %mul3A_601 {strides = array<i32>} : memref<2x100x128xf32, #tpu.memory_space<vmem>>, vector<16xf32>,
        %mul3A_609 = arith.constant 8 : i32
        %mul3A_610 = arith.muli %scan3A_280, %mul3A_609 : i32
        %add3A_611 = arith.constant 5 : i32
        %add3A_612 = arith.addi %mul3A_610, %add3A_611 : i32
        %mul3A_613 = arith.constant 4 : i32
        %mul3A_614 = arith.muli %scan3A_280, %mul3A_613 : i32
        %get3A_615 = arith.constant 1 : i32
        %get3A_616 = arith.index_cast %get3A_615 : i32 to index
        %get3A_617 = arith.index_cast %add3A_612 : i32 to index
        %get3A_618 = arith.constant 0 : index
        %get3A_619 = tpu.vector_load %arg6[%get3A_616, %get3A_617, %get3A_618] {strides = array<i32>} : memref<2x200x64xf32, #tpu.memory_space<vmem>>, vector<16xf32>,
        %mul3A_620 = arith.constant 8.000000e+00 : f32
        %mul3A_621 = vector.broadcast %mul3A_620 : f32 to vector<16xf32>
        %mul3A_622 = arith.mulf %get3A_619, %mul3A_621 : vector<16xf32>
        %add3A_623 = arith.constant 2 : i32
        %add3A_624 = arith.addi %mul3A_614, %add3A_623 : i32
        %swap3A_625 = arith.constant 1 : i32
        %swap3A_626 = arith.index_cast %swap3A_625 : i32 to index
        %swap3A_627 = arith.index_cast %add3A_624 : i32 to index
        %swap3A_628 = arith.constant 64 : index
        %swap3A_629 = tpu.vector_load %arg7[%swap3A_626, %swap3A_627, %swap3A_628] {strides = array<i32>} : memref<2x100x128xf32, #tpu.memory_space<vmem>>, vector<16xf32>,
        tpu.vector_store %arg7[%swap3A_626, %swap3A_627, %swap3A_628], %mul3A_622 {strides = array<i32>} : memref<2x100x128xf32, #tpu.memory_space<vmem>>, vector<16xf32>,
        %get3A_630 = arith.constant 1 : i32
        %get3A_631 = arith.index_cast %get3A_630 : i32 to index
        %get3A_632 = arith.index_cast %add3A_612 : i32 to index
        %get3A_633 = arith.constant 16 : index
        %get3A_634 = tpu.vector_load %arg6[%get3A_631, %get3A_632, %get3A_633] {strides = array<i32>} : memref<2x200x64xf32, #tpu.memory_space<vmem>>, vector<16xf32>,
        %mul3A_635 = arith.constant 8.000000e+00 : f32
        %mul3A_636 = vector.broadcast %mul3A_635 : f32 to vector<16xf32>
        %mul3A_637 = arith.mulf %get3A_634, %mul3A_636 : vector<16xf32>
        %add3A_638 = arith.constant 2 : i32
        %add3A_639 = arith.addi %mul3A_614, %add3A_638 : i32
        %swap3A_640 = arith.constant 1 : i32
        %swap3A_641 = arith.index_cast %swap3A_640 : i32 to index
        %swap3A_642 = arith.index_cast %add3A_639 : i32 to index
        %swap3A_643 = arith.constant 80 : index
        %swap3A_644 = tpu.vector_load %arg7[%swap3A_641, %swap3A_642, %swap3A_643] {strides = array<i32>} : memref<2x100x128xf32, #tpu.memory_space<vmem>>, vector<16xf32>,
        tpu.vector_store %arg7[%swap3A_641, %swap3A_642, %swap3A_643], %mul3A_637 {strides = array<i32>} : memref<2x100x128xf32, #tpu.memory_space<vmem>>, vector<16xf32>,
        %get3A_645 = arith.constant 1 : i32
        %get3A_646 = arith.index_cast %get3A_645 : i32 to index
        %get3A_647 = arith.index_cast %add3A_612 : i32 to index
        %get3A_648 = arith.constant 32 : index
        %get3A_649 = tpu.vector_load %arg6[%get3A_646, %get3A_647, %get3A_648] {strides = array<i32>} : memref<2x200x64xf32, #tpu.memory_space<vmem>>, vector<16xf32>,
        %mul3A_650 = arith.constant 8.000000e+00 : f32
        %mul3A_651 = vector.broadcast %mul3A_650 : f32 to vector<16xf32>
        %mul3A_652 = arith.mulf %get3A_649, %mul3A_651 : vector<16xf32>
        %add3A_653 = arith.constant 2 : i32
        %add3A_654 = arith.addi %mul3A_614, %add3A_653 : i32
        %swap3A_655 = arith.constant 1 : i32
        %swap3A_656 = arith.index_cast %swap3A_655 : i32 to index
        %swap3A_657 = arith.index_cast %add3A_654 : i32 to index
        %swap3A_658 = arith.constant 96 : index
        %swap3A_659 = tpu.vector_load %arg7[%swap3A_656, %swap3A_657, %swap3A_658] {strides = array<i32>} : memref<2x100x128xf32, #tpu.memory_space<vmem>>, vector<16xf32>,
        tpu.vector_store %arg7[%swap3A_656, %swap3A_657, %swap3A_658], %mul3A_652 {strides = array<i32>} : memref<2x100x128xf32, #tpu.memory_space<vmem>>, vector<16xf32>,
        %get3A_660 = arith.constant 1 : i32
        %get3A_661 = arith.index_cast %get3A_660 : i32 to index
        %get3A_662 = arith.index_cast %add3A_612 : i32 to index
        %get3A_663 = arith.constant 48 : index
        %get3A_664 = tpu.vector_load %arg6[%get3A_661, %get3A_662, %get3A_663] {strides = array<i32>} : memref<2x200x64xf32, #tpu.memory_space<vmem>>, vector<16xf32>,
        %mul3A_665 = arith.constant 8.000000e+00 : f32
        %mul3A_666 = vector.broadcast %mul3A_665 : f32 to vector<16xf32>
        %mul3A_667 = arith.mulf %get3A_664, %mul3A_666 : vector<16xf32>
        %add3A_668 = arith.constant 2 : i32
        %add3A_669 = arith.addi %mul3A_614, %add3A_668 : i32
        %swap3A_670 = arith.constant 1 : i32
        %swap3A_671 = arith.index_cast %swap3A_670 : i32 to index
        %swap3A_672 = arith.index_cast %add3A_669 : i32 to index
        %swap3A_673 = arith.constant 112 : index
        %swap3A_674 = tpu.vector_load %arg7[%swap3A_671, %swap3A_672, %swap3A_673] {strides = array<i32>} : memref<2x100x128xf32, #tpu.memory_space<vmem>>, vector<16xf32>,
        tpu.vector_store %arg7[%swap3A_671, %swap3A_672, %swap3A_673], %mul3A_667 {strides = array<i32>} : memref<2x100x128xf32, #tpu.memory_space<vmem>>, vector<16xf32>,
        %mul3A_675 = arith.constant 8 : i32
        %mul3A_676 = arith.muli %scan3A_280, %mul3A_675 : i32
        %add3A_677 = arith.constant 6 : i32
        %add3A_678 = arith.addi %mul3A_676, %add3A_677 : i32
        %mul3A_679 = arith.constant 4 : i32
        %mul3A_680 = arith.muli %scan3A_280, %mul3A_679 : i32
        %get3A_681 = arith.constant 1 : i32
        %get3A_682 = arith.index_cast %get3A_681 : i32 to index
        %get3A_683 = arith.index_cast %add3A_678 : i32 to index
        %get3A_684 = arith.constant 0 : index
        %get3A_685 = tpu.vector_load %arg6[%get3A_682, %get3A_683, %get3A_684] {strides = array<i32>} : memref<2x200x64xf32, #tpu.memory_space<vmem>>, vector<16xf32>,
        %mul3A_686 = arith.constant 8.000000e+00 : f32
        %mul3A_687 = vector.broadcast %mul3A_686 : f32 to vector<16xf32>
        %mul3A_688 = arith.mulf %get3A_685, %mul3A_687 : vector<16xf32>
        %add3A_689 = arith.constant 3 : i32
        %add3A_690 = arith.addi %mul3A_680, %add3A_689 : i32
        %swap3A_691 = arith.constant 1 : i32
        %swap3A_692 = arith.index_cast %swap3A_691 : i32 to index
        %swap3A_693 = arith.index_cast %add3A_690 : i32 to index
        %swap3A_694 = arith.constant 0 : index
        %swap3A_695 = tpu.vector_load %arg7[%swap3A_692, %swap3A_693, %swap3A_694] {strides = array<i32>} : memref<2x100x128xf32, #tpu.memory_space<vmem>>, vector<16xf32>,
        tpu.vector_store %arg7[%swap3A_692, %swap3A_693, %swap3A_694], %mul3A_688 {strides = array<i32>} : memref<2x100x128xf32, #tpu.memory_space<vmem>>, vector<16xf32>,
        %get3A_696 = arith.constant 1 : i32
        %get3A_697 = arith.index_cast %get3A_696 : i32 to index
        %get3A_698 = arith.index_cast %add3A_678 : i32 to index
        %get3A_699 = arith.constant 16 : index
        %get3A_700 = tpu.vector_load %arg6[%get3A_697, %get3A_698, %get3A_699] {strides = array<i32>} : memref<2x200x64xf32, #tpu.memory_space<vmem>>, vector<16xf32>,
        %mul3A_701 = arith.constant 8.000000e+00 : f32
        %mul3A_702 = vector.broadcast %mul3A_701 : f32 to vector<16xf32>
        %mul3A_703 = arith.mulf %get3A_700, %mul3A_702 : vector<16xf32>
        %add3A_704 = arith.constant 3 : i32
        %add3A_705 = arith.addi %mul3A_680, %add3A_704 : i32
        %swap3A_706 = arith.constant 1 : i32
        %swap3A_707 = arith.index_cast %swap3A_706 : i32 to index
        %swap3A_708 = arith.index_cast %add3A_705 : i32 to index
        %swap3A_709 = arith.constant 16 : index
        %swap3A_710 = tpu.vector_load %arg7[%swap3A_707, %swap3A_708, %swap3A_709] {strides = array<i32>} : memref<2x100x128xf32, #tpu.memory_space<vmem>>, vector<16xf32>,
        tpu.vector_store %arg7[%swap3A_707, %swap3A_708, %swap3A_709], %mul3A_703 {strides = array<i32>} : memref<2x100x128xf32, #tpu.memory_space<vmem>>, vector<16xf32>,
        %get3A_711 = arith.constant 1 : i32
        %get3A_712 = arith.index_cast %get3A_711 : i32 to index
        %get3A_713 = arith.index_cast %add3A_678 : i32 to index
        %get3A_714 = arith.constant 32 : index
        %get3A_715 = tpu.vector_load %arg6[%get3A_712, %get3A_713, %get3A_714] {strides = array<i32>} : memref<2x200x64xf32, #tpu.memory_space<vmem>>, vector<16xf32>,
        %mul3A_716 = arith.constant 8.000000e+00 : f32
        %mul3A_717 = vector.broadcast %mul3A_716 : f32 to vector<16xf32>
        %mul3A_718 = arith.mulf %get3A_715, %mul3A_717 : vector<16xf32>
        %add3A_719 = arith.constant 3 : i32
        %add3A_720 = arith.addi %mul3A_680, %add3A_719 : i32
        %swap3A_721 = arith.constant 1 : i32
        %swap3A_722 = arith.index_cast %swap3A_721 : i32 to index
        %swap3A_723 = arith.index_cast %add3A_720 : i32 to index
        %swap3A_724 = arith.constant 32 : index
        %swap3A_725 = tpu.vector_load %arg7[%swap3A_722, %swap3A_723, %swap3A_724] {strides = array<i32>} : memref<2x100x128xf32, #tpu.memory_space<vmem>>, vector<16xf32>,
        tpu.vector_store %arg7[%swap3A_722, %swap3A_723, %swap3A_724], %mul3A_718 {strides = array<i32>} : memref<2x100x128xf32, #tpu.memory_space<vmem>>, vector<16xf32>,
        %get3A_726 = arith.constant 1 : i32
        %get3A_727 = arith.index_cast %get3A_726 : i32 to index
        %get3A_728 = arith.index_cast %add3A_678 : i32 to index
        %get3A_729 = arith.constant 48 : index
        %get3A_730 = tpu.vector_load %arg6[%get3A_727, %get3A_728, %get3A_729] {strides = array<i32>} : memref<2x200x64xf32, #tpu.memory_space<vmem>>, vector<16xf32>,
        %mul3A_731 = arith.constant 8.000000e+00 : f32
        %mul3A_732 = vector.broadcast %mul3A_731 : f32 to vector<16xf32>
        %mul3A_733 = arith.mulf %get3A_730, %mul3A_732 : vector<16xf32>
        %add3A_734 = arith.constant 3 : i32
        %add3A_735 = arith.addi %mul3A_680, %add3A_734 : i32
        %swap3A_736 = arith.constant 1 : i32
        %swap3A_737 = arith.index_cast %swap3A_736 : i32 to index
        %swap3A_738 = arith.index_cast %add3A_735 : i32 to index
        %swap3A_739 = arith.constant 48 : index
        %swap3A_740 = tpu.vector_load %arg7[%swap3A_737, %swap3A_738, %swap3A_739] {strides = array<i32>} : memref<2x100x128xf32, #tpu.memory_space<vmem>>, vector<16xf32>,
        tpu.vector_store %arg7[%swap3A_737, %swap3A_738, %swap3A_739], %mul3A_733 {strides = array<i32>} : memref<2x100x128xf32, #tpu.memory_space<vmem>>, vector<16xf32>,
        %mul3A_741 = arith.constant 8 : i32
        %mul3A_742 = arith.muli %scan3A_280, %mul3A_741 : i32
        %add3A_743 = arith.constant 7 : i32
        %add3A_744 = arith.addi %mul3A_742, %add3A_743 : i32
        %mul3A_745 = arith.constant 4 : i32
        %mul3A_746 = arith.muli %scan3A_280, %mul3A_745 : i32
        %get3A_747 = arith.constant 1 : i32
        %get3A_748 = arith.index_cast %get3A_747 : i32 to index
        %get3A_749 = arith.index_cast %add3A_744 : i32 to index
        %get3A_750 = arith.constant 0 : index
        %get3A_751 = tpu.vector_load %arg6[%get3A_748, %get3A_749, %get3A_750] {strides = array<i32>} : memref<2x200x64xf32, #tpu.memory_space<vmem>>, vector<16xf32>,
        %mul3A_752 = arith.constant 8.000000e+00 : f32
        %mul3A_753 = vector.broadcast %mul3A_752 : f32 to vector<16xf32>
        %mul3A_754 = arith.mulf %get3A_751, %mul3A_753 : vector<16xf32>
        %add3A_755 = arith.constant 3 : i32
        %add3A_756 = arith.addi %mul3A_746, %add3A_755 : i32
        %swap3A_757 = arith.constant 1 : i32
        %swap3A_758 = arith.index_cast %swap3A_757 : i32 to index
        %swap3A_759 = arith.index_cast %add3A_756 : i32 to index
        %swap3A_760 = arith.constant 64 : index
        %swap3A_761 = tpu.vector_load %arg7[%swap3A_758, %swap3A_759, %swap3A_760] {strides = array<i32>} : memref<2x100x128xf32, #tpu.memory_space<vmem>>, vector<16xf32>,
        tpu.vector_store %arg7[%swap3A_758, %swap3A_759, %swap3A_760], %mul3A_754 {strides = array<i32>} : memref<2x100x128xf32, #tpu.memory_space<vmem>>, vector<16xf32>,
        %get3A_762 = arith.constant 1 : i32
        %get3A_763 = arith.index_cast %get3A_762 : i32 to index
        %get3A_764 = arith.index_cast %add3A_744 : i32 to index
        %get3A_765 = arith.constant 16 : index
        %get3A_766 = tpu.vector_load %arg6[%get3A_763, %get3A_764, %get3A_765] {strides = array<i32>} : memref<2x200x64xf32, #tpu.memory_space<vmem>>, vector<16xf32>,
        %mul3A_767 = arith.constant 8.000000e+00 : f32
        %mul3A_768 = vector.broadcast %mul3A_767 : f32 to vector<16xf32>
        %mul3A_769 = arith.mulf %get3A_766, %mul3A_768 : vector<16xf32>
        %add3A_770 = arith.constant 3 : i32
        %add3A_771 = arith.addi %mul3A_746, %add3A_770 : i32
        %swap3A_772 = arith.constant 1 : i32
        %swap3A_773 = arith.index_cast %swap3A_772 : i32 to index
        %swap3A_774 = arith.index_cast %add3A_771 : i32 to index
        %swap3A_775 = arith.constant 80 : index
        %swap3A_776 = tpu.vector_load %arg7[%swap3A_773, %swap3A_774, %swap3A_775] {strides = array<i32>} : memref<2x100x128xf32, #tpu.memory_space<vmem>>, vector<16xf32>,
        tpu.vector_store %arg7[%swap3A_773, %swap3A_774, %swap3A_775], %mul3A_769 {strides = array<i32>} : memref<2x100x128xf32, #tpu.memory_space<vmem>>, vector<16xf32>,
        %get3A_777 = arith.constant 1 : i32
        %get3A_778 = arith.index_cast %get3A_777 : i32 to index
        %get3A_779 = arith.index_cast %add3A_744 : i32 to index
        %get3A_780 = arith.constant 32 : index
        %get3A_781 = tpu.vector_load %arg6[%get3A_778, %get3A_779, %get3A_780] {strides = array<i32>} : memref<2x200x64xf32, #tpu.memory_space<vmem>>, vector<16xf32>,
        %mul3A_782 = arith.constant 8.000000e+00 : f32
        %mul3A_783 = vector.broadcast %mul3A_782 : f32 to vector<16xf32>
        %mul3A_784 = arith.mulf %get3A_781, %mul3A_783 : vector<16xf32>
        %add3A_785 = arith.constant 3 : i32
        %add3A_786 = arith.addi %mul3A_746, %add3A_785 : i32
        %swap3A_787 = arith.constant 1 : i32
        %swap3A_788 = arith.index_cast %swap3A_787 : i32 to index
        %swap3A_789 = arith.index_cast %add3A_786 : i32 to index
        %swap3A_790 = arith.constant 96 : index
        %swap3A_791 = tpu.vector_load %arg7[%swap3A_788, %swap3A_789, %swap3A_790] {strides = array<i32>} : memref<2x100x128xf32, #tpu.memory_space<vmem>>, vector<16xf32>,
        tpu.vector_store %arg7[%swap3A_788, %swap3A_789, %swap3A_790], %mul3A_784 {strides = array<i32>} : memref<2x100x128xf32, #tpu.memory_space<vmem>>, vector<16xf32>,
        %get3A_792 = arith.constant 1 : i32
        %get3A_793 = arith.index_cast %get3A_792 : i32 to index
        %get3A_794 = arith.index_cast %add3A_744 : i32 to index
        %get3A_795 = arith.constant 48 : index
        %get3A_796 = tpu.vector_load %arg6[%get3A_793, %get3A_794, %get3A_795] {strides = array<i32>} : memref<2x200x64xf32, #tpu.memory_space<vmem>>, vector<16xf32>,
        %mul3A_797 = arith.constant 8.000000e+00 : f32
        %mul3A_798 = vector.broadcast %mul3A_797 : f32 to vector<16xf32>
        %mul3A_799 = arith.mulf %get3A_796, %mul3A_798 : vector<16xf32>
        %add3A_800 = arith.constant 3 : i32
        %add3A_801 = arith.addi %mul3A_746, %add3A_800 : i32
        %swap3A_802 = arith.constant 1 : i32
        %swap3A_803 = arith.index_cast %swap3A_802 : i32 to index
        %swap3A_804 = arith.index_cast %add3A_801 : i32 to index
        %swap3A_805 = arith.constant 112 : index
        %swap3A_806 = tpu.vector_load %arg7[%swap3A_803, %swap3A_804, %swap3A_805] {strides = array<i32>} : memref<2x100x128xf32, #tpu.memory_space<vmem>>, vector<16xf32>,
        tpu.vector_store %arg7[%swap3A_803, %swap3A_804, %swap3A_805], %mul3A_799 {strides = array<i32>} : memref<2x100x128xf32, #tpu.memory_space<vmem>>, vector<16xf32>,
      }
      %scan3A_213 = arith.constant 25 : i32
      %mul3A_214 = arith.constant 128 : i32
      %mul3A_215 = arith.muli %add3A, %mul3A_214 : i32
      %add3A_216 = arith.addi %mul3A_215, %add3A_175 : i32
      %jit3A_217 = arith.constant 8 : i32
      %div3A_218 = arith.divsi %add3A_216, %jit3A_217 : i32
      %sign3A_219 = arith.constant 0 : i32
      %sign3A_220 = arith.cmpi sgt, %add3A_216, %sign3A_219 : i32
      %sign3A_221 = arith.extui %sign3A_220 : i1 to i32
      %sign3A_222 = arith.constant 0 : i32
      %sign3A_223 = arith.cmpi slt, %add3A_216, %sign3A_222 : i32
      %sign3A_224 = arith.extui %sign3A_223 : i1 to i32
      %sign3A_225 = arith.subi %sign3A_221, %sign3A_224 : i32
      %sign3A_226 = arith.constant 0 : i32
      %sign3A_227 = arith.cmpi sgt, %jit3A_217, %sign3A_226 : i32
      %sign3A_228 = arith.extui %sign3A_227 : i1 to i32
      %sign3A_229 = arith.constant 0 : i32
      %sign3A_230 = arith.cmpi slt, %jit3A_217, %sign3A_229 : i32
      %sign3A_231 = arith.extui %sign3A_230 : i1 to i32
      %sign3A_232 = arith.subi %sign3A_228, %sign3A_231 : i32
      %ne3A_233 = arith.cmpi ne, %sign3A_225, %sign3A_232 : i32
      %rem3A_234 = arith.remsi %add3A_216, %jit3A_217 : i32
      %ne3A_235 = arith.constant 0 : i32
      %ne3A_236 = arith.cmpi ne, %rem3A_234, %ne3A_235 : i32
      %and3A_237 = arith.andi %ne3A_233, %ne3A_236 : i1
      %sub3A_238 = arith.constant 1 : i32
      %sub3A_239 = arith.subi %div3A_218, %sub3A_238 : i32
      %select_n3A_240 = arith.select %and3A_237, %sub3A_239, %div3A_218 : i32
      %mul3A_241 = arith.constant 128 : i32
      %mul3A_242 = arith.muli %add3A, %mul3A_241 : i32
      %add3A_243 = arith.addi %mul3A_242, %add3A_175 : i32
      %jit3A_244 = arith.constant 8 : i32
      %eq3A_245 = arith.constant 0 : i32
      %eq3A_246 = arith.cmpi eq, %jit3A_244, %eq3A_245 : i32
      %jit3A_247 = arith.constant 1 : i32
      %select_n3A_248 = arith.select %eq3A_246, %jit3A_247, %jit3A_244 : i32
      %rem3A_249 = arith.remsi %add3A_243, %select_n3A_248 : i32
      %ne3A_250 = arith.constant 0 : i32
      %ne3A_251 = arith.cmpi ne, %rem3A_249, %ne3A_250 : i32
      %lt3A_252 = arith.constant 0 : i32
      %lt3A_253 = arith.cmpi slt, %rem3A_249, %lt3A_252 : i32
      %lt3A_254 = arith.constant 0 : i32
      %lt3A_255 = arith.cmpi slt, %select_n3A_248, %lt3A_254 : i32
      %ne3A_256 = arith.xori %lt3A_253, %lt3A_255 : i1
      %and3A_257 = arith.andi %ne3A_256, %ne3A_251 : i1
      %add3A_258 = arith.addi %rem3A_249, %select_n3A_248 : i32
      %select_n3A_259 = arith.select %and3A_257, %add3A_258, %rem3A_249 : i32
      %dma_start3A_260 = arith.constant 1 : i32
      %dma_start3A_261 = arith.constant 1 : i32
      %dma_start3A_262 = arith.constant 0 : i32
      %dma_start3A_263 = arith.constant 0 : i32
      %dma_start3A_264 = tpu.memref_slice %arg7[%dma_start3A_260, %dma_start3A_262, %dma_start3A_263] : memref<2x100x128xf32, #tpu.memory_space<vmem>> -> memref<1x100x128xf32, #tpu.memory_space<vmem>>
      %dma_start3A_265 = tpu.memref_squeeze %dma_start3A_264 : memref<1x100x128xf32, #tpu.memory_space<vmem>> -> memref<100x128xf32, #tpu.memory_space<vmem>>
      %dma_start3A_266 = arith.constant 0 : i32
      %dma_start3A_267 = arith.constant 0 : i32
      %dma_start3A_268 = tpu.memref_slice %arg4[%select_n3A_240, %dma_start3A_266, %select_n3A_259, %dma_start3A_267] : memref<512x100x8x128xf32, #tpu.memory_space<hbm>> -> memref<1x100x1x128xf32, #tpu.memory_space<hbm>>
      %dma_start3A_269 = tpu.memref_squeeze %dma_start3A_268 : memref<1x100x1x128xf32, #tpu.memory_space<hbm>> -> memref<100x128xf32, #tpu.memory_space<hbm>>
      %dma_start3A_270 = tpu.memref_slice %arg9[%dma_start3A_261] : memref<2x!tpu.dma_semaphore, #tpu.memory_space<semaphore_mem>> -> memref<1x!tpu.dma_semaphore, #tpu.memory_space<semaphore_mem>>
      %dma_start3A_271 = tpu.memref_squeeze %dma_start3A_270 : memref<1x!tpu.dma_semaphore, #tpu.memory_space<semaphore_mem>> -> memref<!tpu.dma_semaphore, #tpu.memory_space<semaphore_mem>>
      %dma_start3A_272 = arith.constant 0 : i32
      %dma_start3A_273 = arith.constant 0 : i32
      %dma_start3A_274 = tpu.memref_slice %arg4[%select_n3A_240, %dma_start3A_272, %select_n3A_259, %dma_start3A_273] : memref<512x100x8x128xf32, #tpu.memory_space<hbm>> -> memref<1x100x1x128xf32, #tpu.memory_space<hbm>>
      %dma_start3A_275 = tpu.memref_squeeze %dma_start3A_274 : memref<1x100x1x128xf32, #tpu.memory_space<hbm>> -> memref<100x128xf32, #tpu.memory_space<hbm>>
      %dma_start3A_276 = arith.constant 0 : i32
      %dma_start3A_277 = arith.constant 0 : i32
      %dma_start3A_278 = tpu.memref_slice %arg7[%dma_start3A_260, %dma_start3A_276, %dma_start3A_277] : memref<2x100x128xf32, #tpu.memory_space<vmem>> -> memref<1x100x128xf32, #tpu.memory_space<vmem>>
      %dma_start3A_279 = tpu.memref_squeeze %dma_start3A_278 : memref<1x100x128xf32, #tpu.memory_space<vmem>> -> memref<100x128xf32, #tpu.memory_space<vmem>>
      tpu.enqueue_dma source(%dma_start3A_279 : memref<100x128xf32, #tpu.memory_space<vmem>>) target(%dma_start3A_275 : memref<100x128xf32, #tpu.memory_space<hbm>>) target_semaphore(%dma_start3A_271 : memref<!tpu.dma_semaphore, #tpu.memory_space<semaphore_mem>>)
    }
    %scan3A_32 = arith.constant 64 : i32
    %dma_wait3A = arith.constant 0 : i32
    %dma_wait3A_33 = arith.constant 0 : i32
    %dma_wait3A_34 = arith.constant 0 : i32
    %dma_wait3A_35 = arith.constant 0 : i32
    %dma_wait3A_36 = arith.constant 0 : i32
    %dma_wait3A_37 = arith.constant 0 : i32
    %dma_wait3A_38 = tpu.memref_slice %arg7[%dma_wait3A, %dma_wait3A_36, %dma_wait3A_37] : memref<2x100x128xf32, #tpu.memory_space<vmem>> -> memref<1x100x128xf32, #tpu.memory_space<vmem>>
    %dma_wait3A_39 = tpu.memref_squeeze %dma_wait3A_38 : memref<1x100x128xf32, #tpu.memory_space<vmem>> -> memref<100x128xf32, #tpu.memory_space<vmem>>
    %dma_wait3A_40 = arith.constant 0 : i32
    %dma_wait3A_41 = arith.constant 0 : i32
    %dma_wait3A_42 = tpu.memref_slice %arg4[%dma_wait3A_33, %dma_wait3A_40, %dma_wait3A_34, %dma_wait3A_41] : memref<512x100x8x128xf32, #tpu.memory_space<hbm>> -> memref<1x100x1x128xf32, #tpu.memory_space<hbm>>
    %dma_wait3A_43 = tpu.memref_squeeze %dma_wait3A_42 : memref<1x100x1x128xf32, #tpu.memory_space<hbm>> -> memref<100x128xf32, #tpu.memory_space<hbm>>
    %dma_wait3A_44 = tpu.memref_slice %arg9[%dma_wait3A_35] : memref<2x!tpu.dma_semaphore, #tpu.memory_space<semaphore_mem>> -> memref<1x!tpu.dma_semaphore, #tpu.memory_space<semaphore_mem>>
    %dma_wait3A_45 = tpu.memref_squeeze %dma_wait3A_44 : memref<1x!tpu.dma_semaphore, #tpu.memory_space<semaphore_mem>> -> memref<!tpu.dma_semaphore, #tpu.memory_space<semaphore_mem>>
    %dma_wait3A_46 = arith.constant 0 : i32
    %dma_wait3A_47 = arith.constant 0 : i32
    %dma_wait3A_48 = tpu.memref_slice %arg4[%dma_wait3A_33, %dma_wait3A_46, %dma_wait3A_34, %dma_wait3A_47] : memref<512x100x8x128xf32, #tpu.memory_space<hbm>> -> memref<1x100x1x128xf32, #tpu.memory_space<hbm>>
    %dma_wait3A_49 = tpu.memref_squeeze %dma_wait3A_48 : memref<1x100x1x128xf32, #tpu.memory_space<hbm>> -> memref<100x128xf32, #tpu.memory_space<hbm>>
    %dma_wait3A_50 = arith.constant 0 : i32
    %dma_wait3A_51 = arith.constant 0 : i32
    %dma_wait3A_52 = tpu.memref_slice %arg7[%dma_wait3A, %dma_wait3A_50, %dma_wait3A_51] : memref<2x100x128xf32, #tpu.memory_space<vmem>> -> memref<1x100x128xf32, #tpu.memory_space<vmem>>
    %dma_wait3A_53 = tpu.memref_squeeze %dma_wait3A_52 : memref<1x100x128xf32, #tpu.memory_space<vmem>> -> memref<100x128xf32, #tpu.memory_space<vmem>>
    tpu.wait_dma2 semaphore(%dma_wait3A_45 : memref<!tpu.dma_semaphore, #tpu.memory_space<semaphore_mem>>) src(%dma_wait3A_53 : memref<100x128xf32, #tpu.memory_space<vmem>>) dst(%dma_wait3A_49 : memref<100x128xf32, #tpu.memory_space<hbm>>)
    %dma_wait3A_54 = arith.constant 1 : i32
    %dma_wait3A_55 = arith.constant 0 : i32
    %dma_wait3A_56 = arith.constant 0 : i32
    %dma_wait3A_57 = arith.constant 1 : i32
    %dma_wait3A_58 = arith.constant 0 : i32
    %dma_wait3A_59 = arith.constant 0 : i32
    %dma_wait3A_60 = tpu.memref_slice %arg7[%dma_wait3A_54, %dma_wait3A_58, %dma_wait3A_59] : memref<2x100x128xf32, #tpu.memory_space<vmem>> -> memref<1x100x128xf32, #tpu.memory_space<vmem>>
    %dma_wait3A_61 = tpu.memref_squeeze %dma_wait3A_60 : memref<1x100x128xf32, #tpu.memory_space<vmem>> -> memref<100x128xf32, #tpu.memory_space<vmem>>
    %dma_wait3A_62 = arith.constant 0 : i32
    %dma_wait3A_63 = arith.constant 0 : i32
    %dma_wait3A_64 = tpu.memref_slice %arg4[%dma_wait3A_55, %dma_wait3A_62, %dma_wait3A_56, %dma_wait3A_63] : memref<512x100x8x128xf32, #tpu.memory_space<hbm>> -> memref<1x100x1x128xf32, #tpu.memory_space<hbm>>
    %dma_wait3A_65 = tpu.memref_squeeze %dma_wait3A_64 : memref<1x100x1x128xf32, #tpu.memory_space<hbm>> -> memref<100x128xf32, #tpu.memory_space<hbm>>
    %dma_wait3A_66 = tpu.memref_slice %arg9[%dma_wait3A_57] : memref<2x!tpu.dma_semaphore, #tpu.memory_space<semaphore_mem>> -> memref<1x!tpu.dma_semaphore, #tpu.memory_space<semaphore_mem>>
    %dma_wait3A_67 = tpu.memref_squeeze %dma_wait3A_66 : memref<1x!tpu.dma_semaphore, #tpu.memory_space<semaphore_mem>> -> memref<!tpu.dma_semaphore, #tpu.memory_space<semaphore_mem>>
    %dma_wait3A_68 = arith.constant 0 : i32
    %dma_wait3A_69 = arith.constant 0 : i32
    %dma_wait3A_70 = tpu.memref_slice %arg4[%dma_wait3A_55, %dma_wait3A_68, %dma_wait3A_56, %dma_wait3A_69] : memref<512x100x8x128xf32, #tpu.memory_space<hbm>> -> memref<1x100x1x128xf32, #tpu.memory_space<hbm>>
    %dma_wait3A_71 = tpu.memref_squeeze %dma_wait3A_70 : memref<1x100x1x128xf32, #tpu.memory_space<hbm>> -> memref<100x128xf32, #tpu.memory_space<hbm>>
    %dma_wait3A_72 = arith.constant 0 : i32
    %dma_wait3A_73 = arith.constant 0 : i32
    %dma_wait3A_74 = tpu.memref_slice %arg7[%dma_wait3A_54, %dma_wait3A_72, %dma_wait3A_73] : memref<2x100x128xf32, #tpu.memory_space<vmem>> -> memref<1x100x128xf32, #tpu.memory_space<vmem>>
    %dma_wait3A_75 = tpu.memref_squeeze %dma_wait3A_74 : memref<1x100x128xf32, #tpu.memory_space<vmem>> -> memref<100x128xf32, #tpu.memory_space<vmem>>
    tpu.wait_dma2 semaphore(%dma_wait3A_67 : memref<!tpu.dma_semaphore, #tpu.memory_space<semaphore_mem>>) src(%dma_wait3A_75 : memref<100x128xf32, #tpu.memory_space<vmem>>) dst(%dma_wait3A_71 : memref<100x128xf32, #tpu.memory_space<hbm>>)
    return
  }
}

</mosaic_0001>

<sc_bundles>
// kernel: _run.3.cloned.1.call-start
scs
__scs_entry_jumppad:
0x0: {  	(pc) =	sbr.rel $0x88, $3  }
0x1: {  	(tag) =	ssettag $0x0;
	lr =	simm.s32 $0x1  }
0x2: {  	[smem:$0x3F9F] =	sst lr;
	_ =	strace $0xD0000000  }
0x3: {  	_ = 	snop  }
0x4: {  	_ = 	snop  }
0x5: {  	_ = 	snop  }
0x6: {  	_ = 	snop  }
0x7: {  	_ = 	snop  }
__scs_overlays_trampoline_lowered:
0x8: {  	[smem:$0x3FAE] =	sst s0  }
0x9: {  	[smem:$0x3FAF] =	sst s1  }
0xa: {  	[smem:$0x3FB0] =	sst s2  }
0xb: {  	[smem:$0x3FB1] =	sst s3  }
0xc: {  	[smem:$0x3FB2] =	sst s4  }
0xd: {  	[smem:$0x3FB3] =	sst s5  }
0xe: {  	[smem:$0x3FB4] =	sst s6  }
0xf: {  	[smem:$0x3FB5] =	sst s7  }
0x10: {  	[smem:$0x3FB6] =	sst s8  }
0x11: {  	[smem:$0x3FB7] =	sst s9;
	s0 =	simm.s32 @!p0 $0x0  }
0x12: {  	s1 =	sld [smem:$0x3F9D];
	s0 =	simm.s32 @p0 $0x1  }
0x13: {  	[smem:$0x3FB8] =	sst s0;
	s0 =	simm.s32 @!p1 $0x0  }
0x14: {  	s2 =	sld [smem:$0x3F9C];
	s0 =	simm.s32 @p1 $0x1  }
0x15: {  	[smem:$0x3FB9] =	sst s0;
	s0 =	simm.s32 @!p2 $0x0  }
0x16: {  	s3 =	sld [smem:$0x3FDB];
	s0 =	simm.s32 @p2 $0x1  }
0x17: {  	s4 =	simm.s32 $0x1BF5;
	[smem:$0x3FBB] =	sst s0  }
0x18: {  	s0 =	sld [smem:$0x3F9E];
	_ =	swait.ge [sflag:s4], $0x0  }
0x19: {  	s7 =	sld [smem:$0x3F9F]  }
0x1a: {  	s8 =	sadd.s32 $0xFFFFE003, lr  }
0x1b: {  	s9 =	sadd.s32 $0xFFFFFEF7, lr;
	s5 =	simm.s32 $0xFFFFFFFF;
	p2 =	slt.u32 s8, $0xFFFFF086  }
0x1c: {  	p1 =	slt.u32 s9, $0xF7A;
	s5 =	simm.s32 @!p2 $0x0  }
0x1d: {  	s5 =	simm.s32 @p1 $0x1;
	p0 =	seq.s32 s7, s2  }
0x1e: {  	s7 =	smul.u32 @!p0 $0xF7A, s2;
	p2 =	seq.s32 @!p0 s5, $0x0  }
0x1f: {  	s9 =	smul.u32 $0xF7A, s1;
	s8 =	simm.s32 @!p0 $0x1BF5;
	p2 =	por !p2, p0  }
0x20: {  	[sflag:s8] =	ssyncset.s32 @!p0 $0xFFFFF086;
	s6 =	sadd.s32 @!p0 s3, s7;
	s7 =	simm.s32 @!p0 $0x108  }
0x21: {  	s3 =	sadd.s32 s3, s9;
	s6 =	sadd.s32 @!p0 $0x88, s6;
	s7 =	simm.s32 @p2 $0x1082  }
0x22: {  	[simem:s7], [sflag:s8] =	dma.local @!p0 [hbm:s6], $0xF7A  }
0x23: {  	s9 =	sor.u32 $0xD0000000, s2;
	s6 =	simm.s32 $0x108;
	_ =	swait.ge @!p0 [sflag:s8], $0x0  }
0x24: {  	s3 =	sadd.s32 $0x88, s3;
	s6 =	simm.s32 @!p1 $0x1082;
	[sflag:s4] =	ssyncset.s32 $0xFFFFF086  }
0x25: {  	[simem:s6], [sflag:s4] =	dma.local [hbm:s3], $0xF7A  }
0x26: {  	[smem:$0x3F9F] =	sst s1;
	(tag) =	ssettag s2;
	_ =	strace s9  }
0x27: {  	s1 =	sld [smem:$0x3FAF]  }
0x28: {  	s2 =	sld [smem:$0x3FB0]  }
0x29: {  	s4 =	sld [smem:$0x3FB2]  }
0x2a: {  	p0 =	seq.s32 s5, $0x0;
	s5 =	sld [smem:$0x3FB3]  }
0x2b: {  	s6 =	sld [smem:$0x3FB4]  }
0x2c: {  	s7 =	sld [smem:$0x3FB5]  }
0x2d: {  	s3 =	simm.s32 $0x108;
	s8 =	sld [smem:$0x3FB6]  }
0x2e: {  	s3 =	simm.s32 @!p0 $0x1082;
	s9 =	sld [smem:$0x3FB7]  }
0x2f: {  	lr =	sadd.s32 s0, s3;
	s0 =	sld [smem:$0x3FAE]  }
0x30: {  	s3 =	sld [smem:$0x3FB1]  }
0x31: {  	[smem:$0x3FBA] =	sst s10  }
0x32: {  	s10 =	sld [smem:$0x3FB8];
	_ =	sdelay $0x3  }
0x33: {  	p0 =	seq.s32 s10, $0x1;
	s10 =	sld [smem:$0x3FBA];
	_ =	sdelay $0x3  }
0x34: {  	[smem:$0x3FBA] =	sst s10  }
0x35: {  	s10 =	sld [smem:$0x3FB9];
	_ =	sdelay $0x3  }
0x36: {  	p1 =	seq.s32 s10, $0x1;
	s10 =	sld [smem:$0x3FBA];
	_ =	sdelay $0x3  }
0x37: {  	[smem:$0x3FBA] =	sst s10  }
0x38: {  	s10 =	sld [smem:$0x3FBB]  }
0x39: {  	_ = 	snop;
	(pc) =	sbr.ind lr, $3  }
0x3a: {  	_ = 	snop  }
0x3b: {  	_ = 	snop  }
0x3c: {  	p2 =	seq.s32 s10, $0x1;
	s10 =	sld [smem:$0x3FBA]  }
0x3d: {  	_ =	shalt  }
0x3e: {  	_ =	shalt  }
0x3f: {  	_ =	shalt  }
0x40: {  	_ =	shalt  }
0x41: {  	_ =	shalt  }
0x42: {  	_ =	shalt  }
0x43: {  	_ =	shalt  }
0x44: {  	_ =	shalt  }
0x45: {  	_ =	shalt  }
0x46: {  	_ =	shalt  }
0x47: {  	_ =	shalt  }
0x48: {  	_ =	shalt  }
0x49: {  	_ =	shalt  }
0x4a: {  	_ =	shalt  }
0x4b: {  	_ =	shalt  }
0x4c: {  	_ =	shalt  }
0x4d: {  	_ =	shalt  }
0x4e: {  	_ =	shalt  }
0x4f: {  	_ =	shalt  }
0x50: {  	_ =	shalt  }
0x51: {  	_ =	shalt  }
0x52: {  	_ =	shalt  }
0x53: {  	_ =	shalt  }
0x54: {  	_ =	shalt  }
0x55: {  	_ =	shalt  }
0x56: {  	_ =	shalt  }
0x57: {  	_ =	shalt  }
0x58: {  	_ =	shalt  }
0x59: {  	_ =	shalt  }
0x5a: {  	_ =	shalt  }
0x5b: {  	_ =	shalt  }
0x5c: {  	_ =	shalt  }
0x5d: {  	_ =	shalt  }
0x5e: {  	_ =	shalt  }
0x5f: {  	_ =	shalt  }
0x60: {  	_ =	shalt  }
0x61: {  	_ =	shalt  }
0x62: {  	_ =	shalt  }
0x63: {  	_ =	shalt  }
0x64: {  	_ =	shalt  }
0x65: {  	_ =	shalt  }
0x66: {  	_ =	shalt  }
0x67: {  	_ =	shalt  }
0x68: {  	_ =	shalt  }
0x69: {  	_ =	shalt  }
0x6a: {  	_ =	shalt  }
0x6b: {  	_ =	shalt  }
0x6c: {  	_ =	shalt  }
0x6d: {  	_ =	shalt  }
0x6e: {  	_ =	shalt  }
0x6f: {  	_ =	shalt  }
0x70: {  	_ =	shalt  }
0x71: {  	_ =	shalt  }
0x72: {  	_ =	shalt  }
0x73: {  	_ =	shalt  }
0x74: {  	_ =	shalt  }
0x75: {  	_ =	shalt  }
0x76: {  	_ =	shalt  }
0x77: {  	_ =	shalt  }
0x78: {  	_ =	shalt  }
0x79: {  	_ =	shalt  }
0x7a: {  	_ =	shalt  }
0x7b: {  	_ =	shalt  }
0x7c: {  	_ =	shalt  }
0x7d: {  	_ =	shalt  }
0x7e: {  	_ =	shalt  }
0x7f: {  	_ =	shalt  }
0x80: {  	_ =	shalt  }
0x81: {  	_ =	shalt  }
0x82: {  	_ =	shalt  }
0x83: {  	_ =	shalt  }
0x84: {  	_ =	shalt  }
0x85: {  	_ =	shalt  }
0x86: {  	_ =	shalt  }
0x87: {  	_ =	shalt  }
.Lfunc_end0:
.L_simem_size_0:
called_computation_lowered:
.L_overlay_start_0:
0x88: {  	s2 =	sld [smem:$0x3FD9]  }
0x89: {  	s3 =	sld [smem:$0x3FFE];
	_ =	sdelay $0x1  }
0x8a: {  	s1 =	srdreg.scid  }
0x8b: {  	s0 =	sand.u32 $0x1, s1  }
0x8c: {  	s17 =	sshll.u32 s0, $0xA;
	s2 =	sadd.s32 s3, s2  }
0x8d: {  	s2 =	sadd.s32 s2, s17  }
0x8e: {  	[smem:$0x3FC6] =	sst s2  }
0x8f: {  	_ = 	snop  }
0x90: {  	s2 =	sld [smem:$0x3FC9]  }
0x91: {  	s18 =	sld [smem:$0x3FD0];
	(tm) =	ssettm $0x1  }
0x92: {  	s4 =	sld [smem:$0x3FFB];
	_ =	sdelay $0x3  }
0x93: {  	_ =	strace s4  }
0x94: {  	s4 =	sld [smem:$0x3FFC];
	_ =	sdelay $0x3  }
0x95: {  	_ =	strace s4  }
0x96: {  	s4 =	sld [smem:$0x3FFD];
	_ =	sdelay $0x3  }
0x97: {  	_ =	strace s4  }
0x98: {  	_ =	strace $0x8FFFFFFF  }
0x99: {  	s19 =	sld [smem:$0x3FDB];
	_ =	sdelay $0x1  }
0x9a: {  	s5 =	simm.s32 $_scs_section_size  }
0x9b: {  	s6 =	simm.s32 $_size__tile_overlayer_lowered;
	s7 =	simm.s32 $_tile_overlayer_lowered  }
0x9c: {  	s22 =	simm.s32 $0x1BFF;
	s21 =	sshll.u32 s7, $0x1;
	s4 =	sadd.s32 s5, s19  }
0x9d: {  	s8 =	simm.s32 $0x0;
	s20 =	sshll.u32 s6, $0x1;
	s6 =	sadd.s32 s21, s4  }
0x9e: {  	[timem:s8], [sflag:s22] =	dma.local [hbm:s6], s20  }
0x9f: {  	_ =	swait.ge [sflag:s22], s20  }
0xa0: {  	s5 =	ssub.s32 $0x0, s20;
	[sflag:s22] =	ssyncset.done $0x0  }
0xa1: {  	[sflag:s22] =	ssyncadd.s32 s5;
	_ =	sdelay $0x1  }
0xa2: {  	s23 =	simm.s32 $0x1B8B  }
0xa3: {  	_ =	swait.ge [sflag:s23], $0x1  }
0xa4: {  	[sflag:s23] =	ssyncset.done $0x0  }
0xa5: {  	s25 =	simm.s32 $0x1B8E;
	s24 =	sld [smem:$0x3FFE];
	[sflag:s23] =	ssyncadd.s32 $0xFFFFFFFF  }
0xa6: {  	s26 =	simm.s32 $execute0_lowered;
	[smem:$0x3FD2] =	sst s25  }
0xa7: {  	s6 =	sshll.u32 s26, $0x1;
	_ =	strace $0x80000046;
	[dreg:$0x1] =	wrdreg $0xFFFFFFFF  }
0xa8: {  	s28 =	simm.s32 $_size_execute0_lowered;
	s4 =	sadd.s32 s4, s6;
	[dreg:$0x0] =	wrdreg $0x0  }
0xa9: {  	s6 =	sshll.u32 s28, $0x1;
	[dreg:$0x2] =	wrdreg s4  }
0xaa: {  	[dreg:$0x3] =	wrdreg s6  }
0xab: {  	[dreg:$0x4] =	wrdreg $0xC0  }
0xac: {  	_ =	task [dreg:s8], $0x5FFFF  }
0xad: {  	[dreg:$0x1] =	wrdreg $0xFFFFFFFF  }
0xae: {  	[dreg:$0x0] =	wrdreg $0x60  }
0xaf: {  	[dreg:$0x2] =	wrdreg s2  }
0xb0: {  	[dreg:$0x3] =	wrdreg s24  }
0xb1: {  	[dreg:$0x4] =	wrdreg s18  }
0xb2: {  	[dreg:$0x5] =	wrdreg $0x9  }
0xb3: {  	_ =	task.clear_ibuf [dreg:s8], $0x6FFFF;
	_ =	strace $0x90000046  }
0xb4: {  	s29 =	simm.s32 $0x9;
	_ =	strace $0x80000048  }
0xb5: {  	_ =	swait.ge [sflag:s29], $0x1  }
0xb6: {  	[sflag:s29] =	ssyncadd.s32 $0xFFFFFFFF  }
0xb7: {  	_ =	strace $0x90000048  }
0xb8: {  	_ =	sfence  }
0xb9: {  	s30 =	sld [smem:$0x0];
	_ =	sdelay $0x2  }
0xba: {  	s31 =	sshll.u32 s1, $0xD;
	s1 =	sshrl.u32 s1, $0x2  }
0xbb: {  	s3 =	sand.u32 $0x4000, s31;
	s1 =	sadd.s32 s1, s30  }
0xbc: {  	s0 =	sor.u32 s3, s0;
	s1 =	sshll.u32 s1, $0x11  }
0xbd: {  	s0 =	sor.u32 s1, s0  }
0xbe: {  	s0 =	sadd.s32 $0x8F2B, s0  }
0xbf: {  	[sflag:s0] =	ssyncadd.remote.s32 $0x1  }
0xc0: {  	_ =	sfence.sel $0xFFFF  }
0xc1: {  	[dreg:$0x0] =	wrdreg $0xFFFFFFFF;
	(pc) =	sbr.abs _section_cstart, $3  }
0xc2: {  	[dreg:$0x1] =	wrdreg $0xFFFFFFFF  }
0xc3: {  	_ =	task.clear_ibuf [dreg:s8], $0x2FFFF;
	_ =	strace $0x9FFFFFFF  }
0xc4: {  	(tm) =	ssettm $0x7FFFFFFF  }
0xc5: {  	_ =	shalt  }
tec
execute0_lowered:
.L_overlay_start_1:
0x0: {  	(tag) =	ssettag $0x1  }
0x1: {  	s5 =	rddreg [dreg:$0x0]  }
0x2: {  	s4 =	rddreg [dreg:$0x1]  }
0x3: {  	s2 =	rddreg [dreg:$0x2]  }
0x4: {  	s3 =	srdreg.scid;
	s1 =	stileid.u32  }
0x5: {  	s0 =	rddreg [dreg:$0x3];
	s10 =	simm.s32 $0x6400;
	s11 =	simm.s32 $0x48  }
0x6: {  	s12 =	simm.s32 $0x8400;
	s13 =	simm.s32 $0x9600;
	s14 =	simm.s32 $0xB600  }
0x7: {  	s15 =	simm.s32 $0x1;
	s16 =	simm.s32 $0x400;
	s17 =	simm.s32 $0xC800  }
0x8: {  	s18 =	simm.s32 $0x2;
	s19 =	simm.s32 $0x4;
	s20 =	simm.s32 $0xFA00  }
0x9: {  	s21 =	simm.s32 $0x3;
	s22 =	simm.s32 $0x0;
	s6 =	sand.u32 $0x1, s3  }
0xa: {  	s7 =	sshll.u32 s1, $0x1;
	s3 =	simm.s32 $0x0;
	s4 =	sadd.s32 $0xF42800, s4  }
0xb: {  	s8 =	ssub.s32 $0x2, s6;
	s6 =	sor.u32 s6, s7;
	[smem:$0x7FF] =	sst s3  }
0xc: {  	s31 =	sshrl.u32 s8, $0x1;
	s9 =	smul.u32 $0xC80, s6;
	_ =	strace $0x80000047  }
0xd: {  	s6 =	sshll.u32 s6, $0x7;
	s7 =	ssub.s32 s8, s31;
	s8 =	simm.s32 $0x5  }
0xe: {  	s5 =	sadd.s32 s5, s9;
	s7 =	smax.u32 s7, $0x1;
	s9 =	simm.s32 $0x80  }
.LBB2_1:
0xf: {  	[tilespmem:s3], [sflag:$0x5] =	stream.linear.gather [hbm4b:s5+s3], $0x6400, $0x38;
	[tilespmem:$0x12C00] =	vst v63  }
0x10: {  	_ =	swait.ge [sflag:s8], $0x6400  }
0x11: {  	[sflag:s8] =	ssyncset.done $0x0  }
0x12: {  	[sflag:s8] =	ssyncadd.s32 $0xFFFF9C00  }
0x13: {  	[tilespmem:s10], [sflag:$0x1] =	stream.indirect.gather [hbm4b:s4+s9], $0x40, s3, s9, $0xb8;
	[tilespmem:$0x12C00] =	vst v63  }
0x14: {  	s23 =	simm.s32 $0x0  }
0x15: {  	[tilespmem:s12], [sflag:$0x1] =	stream.indirect.gather [hbm4b:s4+s11], $0x40, s9, s11, $0xb8;
	[tilespmem:$0x12C00] =	vst v63  }
.LBB2_2:
0x16: {  	s24 =	sshllo.u32 s23, $0x1  }
0x17: {  	s25 =	smul.u32 $0x320, s24;
	_ =	sdelay $0x1  }
0x18: {  	s25 =	sshra.s32 s25, $0x2  }
0x19: {  	[tilespmem:s13], [sflag:$0x2] =	stream.indirect.gather [hbm4b:s4+s9], $0x40, s25, s9, $0xb8;
	[tilespmem:$0x12C00] =	vst v63  }
0x1a: {  	s25 =	sadd.s32 $0x80, s25  }
0x1b: {  	[tilespmem:s14], [sflag:$0x2] =	stream.indirect.gather [hbm4b:s4+s11], $0x40, s25, s11, $0xb8;
	[tilespmem:$0x12C00] =	vst v63  }
0x1c: {  	_ =	swait.ge [sflag:s15], $0x3200  }
0x1d: {  	p0 =	seq.s32 s23, $0x0;
	[sflag:s15] =	ssyncset.done $0x0  }
0x1e: {  	s25 =	simm.s32 @!p0 $0x3;
	[sflag:s15] =	ssyncadd.s32 $0xFFFFCE00  }
0x1f: {  	_ =	swait.ge @!p0 [sflag:s25], $0x3200  }
0x20: {  	[sflag:s25] =	ssyncset.done @!p0 $0x0  }
0x21: {  	[sflag:s25] =	ssyncadd.s32 @!p0 $0xFFFFCE00;
	s25 =	simm.s32 $0x0  }
0x22: {  	v0 =	vld [tilespmem:s25+$0x65F0]  }
0x23: {  	v1 =	vld [tilespmem:s25+$0x6400];
	_ =	sdelay $0x1  }
0x24: {  	v2 =	vld [tilespmem:s25+$0x6410]  }
0x25: {  	v3 =	vld [tilespmem:s25+$0x6420]  }
0x26: {  	v4 =	vld [tilespmem:s25+$0x6430];
	v0 =	vmul.f32 $8.000000000e+00, v0  }
0x27: {  	v5 =	vld [tilespmem:s25+$0x6440];
	v1 =	vmul.f32 $8.000000000e+00, v1  }
0x28: {  	v6 =	vld [tilespmem:s25+$0x6450];
	[tilespmem:s25+$0xC9F0] =	vst v0  }
0x29: {  	v0 =	vmul.f32 $8.000000000e+00, v2;
	[tilespmem:s25+$0xC800] =	vst v1;
	v1 =	vld [tilespmem:s25+$0x6470]  }
0x2a: {  	v7 =	vld [tilespmem:s25+$0x6460];
	v2 =	vmul.f32 $8.000000000e+00, v3  }
0x2b: {  	v3 =	vmul.f32 $8.000000000e+00, v4;
	[tilespmem:s25+$0xC810] =	vst v0;
	v0 =	vld [tilespmem:s25+$0x6480]  }
0x2c: {  	v4 =	vmul.f32 $8.000000000e+00, v5;
	[tilespmem:s25+$0xC820] =	vst v2;
	v2 =	vld [tilespmem:s25+$0x6490]  }
0x2d: {  	v5 =	vmul.f32 $8.000000000e+00, v6;
	[tilespmem:s25+$0xC830] =	vst v3;
	v3 =	vld [tilespmem:s25+$0x64A0]  }
0x2e: {  	[tilespmem:s25+$0xC840] =	vst v4;
	v4 =	vld [tilespmem:s25+$0x64B0];
	v1 =	vmul.f32 $8.000000000e+00, v1  }
0x2f: {  	v6 =	vmul.f32 $8.000000000e+00, v7;
	[tilespmem:s25+$0xC850] =	vst v5;
	v5 =	vld [tilespmem:s25+$0x64C0]  }
0x30: {  	v0 =	vmul.f32 $8.000000000e+00, v0;
	[tilespmem:s25+$0xC870] =	vst v1;
	v1 =	vld [tilespmem:s25+$0x64E0]  }
0x31: {  	[tilespmem:s25+$0xC860] =	vst v6;
	v6 =	vld [tilespmem:s25+$0x64D0];
	v2 =	vmul.f32 $8.000000000e+00, v2  }
0x32: {  	v3 =	vmul.f32 $8.000000000e+00, v3;
	[tilespmem:s25+$0xC880] =	vst v0;
	v0 =	vld [tilespmem:s25+$0x64F0]  }
0x33: {  	v4 =	vmul.f32 $8.000000000e+00, v4;
	[tilespmem:s25+$0xC890] =	vst v2;
	v2 =	vld [tilespmem:s25+$0x6500]  }
0x34: {  	v5 =	vmul.f32 $8.000000000e+00, v5;
	[tilespmem:s25+$0xC8A0] =	vst v3;
	v3 =	vld [tilespmem:s25+$0x6510]  }
0x35: {  	[tilespmem:s25+$0xC8B0] =	vst v4;
	v4 =	vld [tilespmem:s25+$0x6520];
	v1 =	vmul.f32 $8.000000000e+00, v1  }
0x36: {  	v6 =	vmul.f32 $8.000000000e+00, v6;
	[tilespmem:s25+$0xC8C0] =	vst v5;
	v5 =	vld [tilespmem:s25+$0x6530]  }
0x37: {  	v0 =	vmul.f32 $8.000000000e+00, v0;
	[tilespmem:s25+$0xC8E0] =	vst v1;
	v1 =	vld [tilespmem:s25+$0x6550]  }
0x38: {  	[tilespmem:s25+$0xC8D0] =	vst v6;
	v6 =	vld [tilespmem:s25+$0x6540];
	v2 =	vmul.f32 $8.000000000e+00, v2  }
0x39: {  	[tilespmem:s25+$0xC8F0] =	vst v0;
	v0 =	vmul.f32 $8.000000000e+00, v3;
	v3 =	vld [tilespmem:s25+$0x6570]  }
0x3a: {  	v7 =	vld [tilespmem:s25+$0x6560];
	[tilespmem:s25+$0xC900] =	vst v2;
	v2 =	vmul.f32 $8.000000000e+00, v4  }
0x3b: {  	v4 =	vld [tilespmem:s25+$0x6580];
	[tilespmem:s25+$0xC910] =	vst v0;
	v0 =	vmul.f32 $8.000000000e+00, v5  }
0x3c: {  	v8 =	vld [tilespmem:s25+$0x6590];
	[tilespmem:s25+$0xC920] =	vst v2;
	v5 =	vmul.f32 $8.000000000e+00, v1  }
0x3d: {  	v2 =	vmul.f32 $8.000000000e+00, v6;
	[tilespmem:s25+$0xC930] =	vst v0;
	v0 =	vld [tilespmem:s25+$0x65A0]  }
0x3e: {  	v1 =	vld [tilespmem:s25+$0x65B0];
	[tilespmem:s25+$0xC950] =	vst v5;
	v5 =	vmul.f32 $8.000000000e+00, v3  }
0x3f: {  	v6 =	vmul.f32 $8.000000000e+00, v7;
	[tilespmem:s25+$0xC940] =	vst v2;
	v2 =	vld [tilespmem:s25+$0x65C0]  }
0x40: {  	v3 =	vld [tilespmem:s25+$0x65D0];
	[tilespmem:s25+$0xC970] =	vst v5;
	v5 =	vmul.f32 $8.000000000e+00, v4  }
0x41: {  	s26 =	sshll.u32 s23, $0x1;
	s28 =	simm.s32 $0x200;
	s29 =	simm.s32 $0x1000;
	[tilespmem:s25+$0xC960] =	vst v6;
	v6 =	vmul.f32 $8.000000000e+00, v8;
	v4 =	vld [tilespmem:s25+$0x65E0]  }
.LBB2_3:
0x42: {  	p1 =	sne.s32 s29, $0xC000;
	v7 =	vld [tilespmem:s28+$0x65F0];
	[tilespmem:s25+$0xC980] =	vst v5;
	v0 =	vmul.f32 $8.000000000e+00, v0  }
0x43: {  	v5 =	vld [tilespmem:s28+$0x6400];
	[tilespmem:s25+$0xC990] =	vst v6;
	v1 =	vmul.f32 $8.000000000e+00, v1  }
0x44: {  	v6 =	vld [tilespmem:s28+$0x6410];
	[tilespmem:s25+$0xC9A0] =	vst v0;
	v0 =	vmul.f32 $8.000000000e+00, v2  }
0x45: {  	v2 =	vld [tilespmem:s28+$0x6420];
	[tilespmem:s25+$0xC9B0] =	vst v1;
	v1 =	vmul.f32 $8.000000000e+00, v3  }
0x46: {  	v3 =	vld [tilespmem:s28+$0x6430];
	[tilespmem:s25+$0xC9C0] =	vst v0;
	v0 =	vmul.f32 $8.000000000e+00, v4  }
0x47: {  	v4 =	vld [tilespmem:s28+$0x6440];
	v7 =	vmul.f32 $8.000000000e+00, v7;
	[tilespmem:s25+$0xC9D0] =	vst v1  }
0x48: {  	v1 =	vmul.f32 $8.000000000e+00, v5;
	v5 =	vld [tilespmem:s28+$0x6450];
	[tilespmem:s25+$0xC9E0] =	vst v0;
	s25 =	smov.u32 s28  }
0x49: {  	v0 =	vmul.f32 $8.000000000e+00, v6;
	v6 =	vld [tilespmem:s25+$0x6460];
	[tilespmem:s25+$0xC9F0] =	vst v7  }
0x4a: {  	[tilespmem:s25+$0xC800] =	vst v1;
	v1 =	vmul.f32 $8.000000000e+00, v2;
	v2 =	vld [tilespmem:s25+$0x6470]  }
0x4b: {  	[tilespmem:s25+$0xC810] =	vst v0;
	v0 =	vmul.f32 $8.000000000e+00, v3;
	v3 =	vld [tilespmem:s25+$0x6480]  }
0x4c: {  	[tilespmem:s25+$0xC820] =	vst v1;
	v1 =	vmul.f32 $8.000000000e+00, v4;
	v4 =	vld [tilespmem:s25+$0x6490]  }
0x4d: {  	[tilespmem:s25+$0xC830] =	vst v0;
	v0 =	vmul.f32 $8.000000000e+00, v5;
	v5 =	vld [tilespmem:s25+$0x64A0]  }
0x4e: {  	[tilespmem:s25+$0xC840] =	vst v1;
	v1 =	vmul.f32 $8.000000000e+00, v6;
	v6 =	vld [tilespmem:s25+$0x64B0]  }
0x4f: {  	[tilespmem:s25+$0xC850] =	vst v0;
	v0 =	vmul.f32 $8.000000000e+00, v2;
	v2 =	vld [tilespmem:s25+$0x64C0]  }
0x50: {  	[tilespmem:s25+$0xC860] =	vst v1;
	v1 =	vmul.f32 $8.000000000e+00, v3;
	v3 =	vld [tilespmem:s25+$0x64D0]  }
0x51: {  	[tilespmem:s25+$0xC870] =	vst v0;
	v0 =	vmul.f32 $8.000000000e+00, v4;
	v4 =	vld [tilespmem:s25+$0x64E0]  }
0x52: {  	[tilespmem:s25+$0xC880] =	vst v1;
	v1 =	vmul.f32 $8.000000000e+00, v5;
	v5 =	vld [tilespmem:s25+$0x64F0]  }
0x53: {  	[tilespmem:s25+$0xC890] =	vst v0;
	v0 =	vmul.f32 $8.000000000e+00, v6;
	v6 =	vld [tilespmem:s25+$0x6500]  }
0x54: {  	[tilespmem:s25+$0xC8A0] =	vst v1;
	v1 =	vmul.f32 $8.000000000e+00, v2;
	v2 =	vld [tilespmem:s25+$0x6510]  }
0x55: {  	[tilespmem:s25+$0xC8B0] =	vst v0;
	v0 =	vmul.f32 $8.000000000e+00, v3;
	v3 =	vld [tilespmem:s25+$0x6520]  }
0x56: {  	[tilespmem:s25+$0xC8C0] =	vst v1;
	v1 =	vmul.f32 $8.000000000e+00, v4;
	v4 =	vld [tilespmem:s25+$0x6530]  }
0x57: {  	[tilespmem:s25+$0xC8D0] =	vst v0;
	v0 =	vmul.f32 $8.000000000e+00, v5;
	v5 =	vld [tilespmem:s25+$0x6540]  }
0x58: {  	[tilespmem:s25+$0xC8E0] =	vst v1;
	v1 =	vmul.f32 $8.000000000e+00, v6;
	v6 =	vld [tilespmem:s25+$0x6550]  }
0x59: {  	[tilespmem:s25+$0xC8F0] =	vst v0;
	v0 =	vmul.f32 $8.000000000e+00, v2;
	v2 =	vld [tilespmem:s25+$0x6560]  }
0x5a: {  	[tilespmem:s25+$0xC900] =	vst v1;
	v1 =	vmul.f32 $8.000000000e+00, v3;
	v3 =	vld [tilespmem:s25+$0x6570]  }
0x5b: {  	[tilespmem:s25+$0xC910] =	vst v0;
	v0 =	vmul.f32 $8.000000000e+00, v4;
	v4 =	vld [tilespmem:s25+$0x6580]  }
0x5c: {  	[tilespmem:s25+$0xC920] =	vst v1;
	v1 =	vmul.f32 $8.000000000e+00, v5;
	v7 =	vld [tilespmem:s25+$0x6590]  }
.Ltmp0:
0x5d: {  	[tilespmem:s25+$0xC930] =	vst v0;
	v5 =	vmul.f32 $8.000000000e+00, v6;
	v0 =	vld [tilespmem:s25+$0x65A0];
	(pc) =	sbr.rel @p1 .LBB2_3-.Ltmp0, $4  }
0x5e: {  	[tilespmem:s25+$0xC940] =	vst v1;
	v6 =	vmul.f32 $8.000000000e+00, v2;
	v1 =	vld [tilespmem:s25+$0x65B0]  }
0x5f: {  	[tilespmem:s25+$0xC950] =	vst v5;
	v8 =	vmul.f32 $8.000000000e+00, v3;
	v2 =	vld [tilespmem:s25+$0x65C0]  }
0x60: {  	[tilespmem:s25+$0xC960] =	vst v6;
	v5 =	vmul.f32 $8.000000000e+00, v4;
	v3 =	vld [tilespmem:s25+$0x65D0]  }
0x61: {  	s28 =	sshra.s32 s29, $0x2;
	s29 =	sadd.s32 $0x800, s29;
	[tilespmem:s25+$0xC970] =	vst v8;
	v6 =	vmul.f32 $8.000000000e+00, v7;
	v4 =	vld [tilespmem:s25+$0x65E0]  }
0x62: {  	v7 =	vld [tilespmem:s28+$0x65F0];
	[tilespmem:s25+$0xC980] =	vst v5;
	v0 =	vmul.f32 $8.000000000e+00, v0  }
0x63: {  	v5 =	vld [tilespmem:s28+$0x6400];
	[tilespmem:s25+$0xC990] =	vst v6;
	v1 =	vmul.f32 $8.000000000e+00, v1  }
0x64: {  	v6 =	vld [tilespmem:s28+$0x6410];
	[tilespmem:s25+$0xC9A0] =	vst v0;
	v2 =	vmul.f32 $8.000000000e+00, v2  }
0x65: {  	v0 =	vld [tilespmem:s28+$0x6420];
	[tilespmem:s25+$0xC9B0] =	vst v1;
	v3 =	vmul.f32 $8.000000000e+00, v3  }
0x66: {  	v1 =	vld [tilespmem:s28+$0x6430];
	[tilespmem:s25+$0xC9C0] =	vst v2;
	v4 =	vmul.f32 $8.000000000e+00, v4  }
0x67: {  	v2 =	vld [tilespmem:s28+$0x6440];
	[tilespmem:s25+$0xC9D0] =	vst v3;
	v7 =	vmul.f32 $8.000000000e+00, v7  }
0x68: {  	v3 =	vld [tilespmem:s28+$0x6450];
	[tilespmem:s25+$0xC9E0] =	vst v4;
	v32 =	vmul.f32 $8.000000000e+00, v5  }
0x69: {  	v33 =	vld [tilespmem:s28+$0x6460];
	[tilespmem:s28+$0xC9F0] =	vst v7;
	v6 =	vmul.f32 $8.000000000e+00, v6  }
0x6a: {  	v34 =	vld [tilespmem:s28+$0x6470];
	[tilespmem:s28+$0xC800] =	vst v32;
	v0 =	vmul.f32 $8.000000000e+00, v0  }
0x6b: {  	v35 =	vld [tilespmem:s28+$0x6480];
	[tilespmem:s28+$0xC810] =	vst v6;
	v1 =	vmul.f32 $8.000000000e+00, v1  }
0x6c: {  	v36 =	vld [tilespmem:s28+$0x6490];
	[tilespmem:s28+$0xC820] =	vst v0;
	v2 =	vmul.f32 $8.000000000e+00, v2  }
0x6d: {  	v37 =	vld [tilespmem:s28+$0x64A0];
	[tilespmem:s28+$0xC830] =	vst v1;
	v3 =	vmul.f32 $8.000000000e+00, v3  }
0x6e: {  	v38 =	vld [tilespmem:s28+$0x64B0];
	[tilespmem:s28+$0xC840] =	vst v2;
	v5 =	vmul.f32 $8.000000000e+00, v33  }
0x6f: {  	v52 =	vld [tilespmem:s28+$0x6590];
	v4 =	vmul.f32 $8.000000000e+00, v34;
	[tilespmem:s28+$0xC850] =	vst v3  }
0x70: {  	v53 =	vld [tilespmem:s28+$0x65A0];
	v6 =	vmul.f32 $8.000000000e+00, v35;
	[tilespmem:s28+$0xC860] =	vst v5  }
0x71: {  	v54 =	vld [tilespmem:s28+$0x65B0];
	v0 =	vmul.f32 $8.000000000e+00, v36;
	[tilespmem:s28+$0xC870] =	vst v4  }
0x72: {  	v55 =	vld [tilespmem:s28+$0x65C0];
	v1 =	vmul.f32 $8.000000000e+00, v37;
	[tilespmem:s28+$0xC880] =	vst v6  }
0x73: {  	v56 =	vld [tilespmem:s28+$0x65D0];
	v2 =	vmul.f32 $8.000000000e+00, v38;
	[tilespmem:s28+$0xC890] =	vst v0  }
0x74: {  	v58 =	vld [tilespmem:s28+$0x65E0];
	v57 =	vmul.f32 $8.000000000e+00, v52;
	[tilespmem:s28+$0xC8A0] =	vst v1  }
0x75: {  	v39 =	vld [tilespmem:s28+$0x64C0];
	v59 =	vmul.f32 $8.000000000e+00, v53;
	[tilespmem:s28+$0xC8B0] =	vst v2  }
0x76: {  	v40 =	vld [tilespmem:s28+$0x64D0];
	v60 =	vmul.f32 $8.000000000e+00, v54;
	[tilespmem:s28+$0xC990] =	vst v57  }
0x77: {  	v41 =	vld [tilespmem:s28+$0x64E0];
	v61 =	vmul.f32 $8.000000000e+00, v55;
	[tilespmem:s28+$0xC9A0] =	vst v59  }
0x78: {  	v42 =	vld [tilespmem:s28+$0x64F0];
	v62 =	vmul.f32 $8.000000000e+00, v56;
	[tilespmem:s28+$0xC9B0] =	vst v60  }
0x79: {  	v43 =	vld [tilespmem:s28+$0x6500];
	v63 =	vmul.f32 $8.000000000e+00, v58;
	[tilespmem:s28+$0xC9C0] =	vst v61  }
0x7a: {  	v44 =	vld [tilespmem:s28+$0x6510];
	v3 =	vmul.f32 $8.000000000e+00, v39;
	[tilespmem:s28+$0xC9D0] =	vst v62  }
0x7b: {  	v45 =	vld [tilespmem:s28+$0x6520];
	v5 =	vmul.f32 $8.000000000e+00, v40;
	[tilespmem:s28+$0xC9E0] =	vst v63  }
0x7c: {  	v46 =	vld [tilespmem:s28+$0x6530];
	v4 =	vmul.f32 $8.000000000e+00, v41;
	[tilespmem:s28+$0xC8C0] =	vst v3  }
0x7d: {  	v47 =	vld [tilespmem:s28+$0x6540];
	v6 =	vmul.f32 $8.000000000e+00, v42;
	[tilespmem:s28+$0xC8D0] =	vst v5  }
0x7e: {  	s30 =	sadd.s32 s6, s26;
	s31 =	sand.u32 $0x3, s23;
	v48 =	vld [tilespmem:s28+$0x6550];
	v0 =	vmul.f32 $8.000000000e+00, v43;
	[tilespmem:s28+$0xC8E0] =	vst v4  }
0x7f: {  	p1 =	seq.s32 s30, $0x0;
	p2 =	sne.s32 s31, $0x0;
	v49 =	vld [tilespmem:s28+$0x6560];
	v1 =	vmul.f32 $8.000000000e+00, v44;
	[tilespmem:s28+$0xC8F0] =	vst v6  }
0x80: {  	p1 =	por !p2, !p1;
	v50 =	vld [tilespmem:s28+$0x6570];
	v2 =	vmul.f32 $8.000000000e+00, v45;
	[tilespmem:s28+$0xC900] =	vst v0  }
0x81: {  	s26 =	simm.s32 $0x1;
	p1 =	por !p1, !p1;
	v51 =	vld [tilespmem:s28+$0x6580];
	v3 =	vmul.f32 $8.000000000e+00, v46;
	[tilespmem:s28+$0xC910] =	vst v1  }
0x82: {  	s26 =	simm.s32 @!p1 $0x0;
	s25 =	sshrl.u32 s30, $0x3;
	[tilespmem:s28+$0xC920] =	vst v2;
	v5 =	vmul.f32 $8.000000000e+00, v47  }
0x83: {  	s26 =	ssub.s32 s25, s26;
	v4 =	vmul.f32 $8.000000000e+00, v48;
	[tilespmem:s28+$0xC930] =	vst v3  }
0x84: {  	s29 =	sshll.u32 s23, $0x8;
	p1 =	sne.s32 s23, $0x3F;
	s26 =	smul.u32 $0x19000, s26;
	v6 =	vmul.f32 $8.000000000e+00, v49;
	[tilespmem:s28+$0xC940] =	vst v5  }
.Ltmp1:
0x85: {  	s29 =	sand.u32 $0x300, s29;
	v0 =	vmul.f32 $8.000000000e+00, v50;
	[tilespmem:s28+$0xC950] =	vst v4;
	(pc) =	sbr.rel @p1 .LBB2_6-.Ltmp1, $4  }
0x86: {  	s26 =	sor.u32 s29, s26;
	v1 =	vmul.f32 $8.000000000e+00, v51;
	[tilespmem:s28+$0xC960] =	vst v6  }
0x87: {  	s26 =	sshrl.u32 s26, $0x3;
	[tilespmem:s28+$0xC970] =	vst v0  }
0x88: {  	s26 =	sadd.s32 s2, s26;
	[tilespmem:s28+$0xC980] =	vst v1  }
0x89: {  	[hbm4b:s26+s9] =	stream.strided.scatter [tilespmem:s17], [sflag:$0x3], $0x3200, s16, s9, $0x38;
	[tilespmem:$0x12C00] =	vst v63  }
.Ltmp2:
0x8a: {  	(pc) =	sbr.rel .LBB2_7-.Ltmp2, $4  }
0x8b: {  	_ = 	snop  }
0x8c: {  	_ =	swait.ge [sflag:s18], $0x3200  }
0x8d: {  	[sflag:s18] =	ssyncset.done $0x0  }
0x8e: {  	[sflag:s18] =	ssyncadd.s32 $0xFFFFCE00  }
.LBB2_6:
0x8f: {  	s26 =	smul.u32 $0x640, s23;
	_ =	sdelay $0x1  }
0x90: {  	s26 =	sshra.s32 s26, $0x2  }
0x91: {  	s28 =	sadd.s32 $0x190, s26  }
0x92: {  	[tilespmem:s10], [sflag:$0x1] =	stream.indirect.gather [hbm4b:s4+s9], $0x40, s28, s9, $0xb8;
	[tilespmem:$0x12C00] =	vst v63  }
.Ltmp3:
0x93: {  	s26 =	sadd.s32 $0x210, s26;
	(pc) =	sbr.rel @p0 .LBB2_8-.Ltmp3, $4  }
0x94: {  	[tilespmem:s12], [sflag:$0x1] =	stream.indirect.gather [hbm4b:s4+s11], $0x40, s26, s11, $0xb8;
	[tilespmem:$0x12C00] =	vst v63  }
0x95: {  	_ =	swait.ge [sflag:s18], $0x3200  }
0x96: {  	[sflag:s18] =	ssyncset.done $0x0  }
0x97: {  	[sflag:s18] =	ssyncadd.s32 $0xFFFFCE00  }
.LBB2_7:
0x98: {  	_ =	swait.ge [sflag:s19], $0x3200  }
0x99: {  	[sflag:s19] =	ssyncset.done $0x0  }
0x9a: {  	[sflag:s19] =	ssyncadd.s32 $0xFFFFCE00  }
.LBB2_8:
0x9b: {  	s26 =	simm.s32 $0x0  }
0x9c: {  	v0 =	vld [tilespmem:s26+$0x97F0]  }
0x9d: {  	v1 =	vld [tilespmem:s26+$0x9600];
	_ =	sdelay $0x1  }
0x9e: {  	v2 =	vld [tilespmem:s26+$0x9610]  }
0x9f: {  	v3 =	vld [tilespmem:s26+$0x9620]  }
0xa0: {  	v4 =	vld [tilespmem:s26+$0x9630];
	v0 =	vmul.f32 $8.000000000e+00, v0  }
0xa1: {  	v5 =	vld [tilespmem:s26+$0x9640];
	v1 =	vmul.f32 $8.000000000e+00, v1  }
0xa2: {  	v6 =	vld [tilespmem:s26+$0x9650];
	[tilespmem:s26+$0xFBF0] =	vst v0  }
0xa3: {  	v0 =	vmul.f32 $8.000000000e+00, v2;
	[tilespmem:s26+$0xFA00] =	vst v1;
	v1 =	vld [tilespmem:s26+$0x9670]  }
0xa4: {  	v7 =	vld [tilespmem:s26+$0x9660];
	v2 =	vmul.f32 $8.000000000e+00, v3  }
0xa5: {  	v3 =	vmul.f32 $8.000000000e+00, v4;
	[tilespmem:s26+$0xFA10] =	vst v0;
	v0 =	vld [tilespmem:s26+$0x9680]  }
0xa6: {  	v4 =	vmul.f32 $8.000000000e+00, v5;
	[tilespmem:s26+$0xFA20] =	vst v2;
	v2 =	vld [tilespmem:s26+$0x9690]  }
0xa7: {  	v5 =	vmul.f32 $8.000000000e+00, v6;
	[tilespmem:s26+$0xFA30] =	vst v3;
	v3 =	vld [tilespmem:s26+$0x96A0]  }
0xa8: {  	[tilespmem:s26+$0xFA40] =	vst v4;
	v4 =	vld [tilespmem:s26+$0x96B0];
	v1 =	vmul.f32 $8.000000000e+00, v1  }
0xa9: {  	v6 =	vmul.f32 $8.000000000e+00, v7;
	[tilespmem:s26+$0xFA50] =	vst v5;
	v5 =	vld [tilespmem:s26+$0x96C0]  }
0xaa: {  	v0 =	vmul.f32 $8.000000000e+00, v0;
	[tilespmem:s26+$0xFA70] =	vst v1;
	v1 =	vld [tilespmem:s26+$0x96E0]  }
0xab: {  	[tilespmem:s26+$0xFA60] =	vst v6;
	v6 =	vld [tilespmem:s26+$0x96D0];
	v2 =	vmul.f32 $8.000000000e+00, v2  }
0xac: {  	v3 =	vmul.f32 $8.000000000e+00, v3;
	[tilespmem:s26+$0xFA80] =	vst v0;
	v0 =	vld [tilespmem:s26+$0x96F0]  }
0xad: {  	v4 =	vmul.f32 $8.000000000e+00, v4;
	[tilespmem:s26+$0xFA90] =	vst v2;
	v2 =	vld [tilespmem:s26+$0x9700]  }
0xae: {  	v5 =	vmul.f32 $8.000000000e+00, v5;
	[tilespmem:s26+$0xFAA0] =	vst v3;
	v3 =	vld [tilespmem:s26+$0x9710]  }
0xaf: {  	[tilespmem:s26+$0xFAB0] =	vst v4;
	v4 =	vld [tilespmem:s26+$0x9720];
	v1 =	vmul.f32 $8.000000000e+00, v1  }
0xb0: {  	v6 =	vmul.f32 $8.000000000e+00, v6;
	[tilespmem:s26+$0xFAC0] =	vst v5;
	v5 =	vld [tilespmem:s26+$0x9730]  }
0xb1: {  	v0 =	vmul.f32 $8.000000000e+00, v0;
	[tilespmem:s26+$0xFAE0] =	vst v1;
	v1 =	vld [tilespmem:s26+$0x9750]  }
0xb2: {  	[tilespmem:s26+$0xFAD0] =	vst v6;
	v6 =	vld [tilespmem:s26+$0x9740];
	v2 =	vmul.f32 $8.000000000e+00, v2  }
0xb3: {  	[tilespmem:s26+$0xFAF0] =	vst v0;
	v0 =	vmul.f32 $8.000000000e+00, v3;
	v3 =	vld [tilespmem:s26+$0x9770]  }
0xb4: {  	v7 =	vld [tilespmem:s26+$0x9760];
	[tilespmem:s26+$0xFB00] =	vst v2;
	v2 =	vmul.f32 $8.000000000e+00, v4  }
0xb5: {  	v4 =	vld [tilespmem:s26+$0x9780];
	[tilespmem:s26+$0xFB10] =	vst v0;
	v0 =	vmul.f32 $8.000000000e+00, v5  }
0xb6: {  	v8 =	vld [tilespmem:s26+$0x9790];
	[tilespmem:s26+$0xFB20] =	vst v2;
	v5 =	vmul.f32 $8.000000000e+00, v1  }
0xb7: {  	v2 =	vmul.f32 $8.000000000e+00, v6;
	[tilespmem:s26+$0xFB30] =	vst v0;
	v0 =	vld [tilespmem:s26+$0x97A0]  }
0xb8: {  	v1 =	vld [tilespmem:s26+$0x97B0];
	[tilespmem:s26+$0xFB50] =	vst v5;
	v5 =	vmul.f32 $8.000000000e+00, v3  }
0xb9: {  	v6 =	vmul.f32 $8.000000000e+00, v7;
	[tilespmem:s26+$0xFB40] =	vst v2;
	v2 =	vld [tilespmem:s26+$0x97C0]  }
0xba: {  	v3 =	vld [tilespmem:s26+$0x97D0];
	[tilespmem:s26+$0xFB70] =	vst v5;
	v5 =	vmul.f32 $8.000000000e+00, v4  }
0xbb: {  	s28 =	simm.s32 $0x200;
	s29 =	simm.s32 $0x1000;
	[tilespmem:s26+$0xFB60] =	vst v6;
	v6 =	vmul.f32 $8.000000000e+00, v8;
	v4 =	vld [tilespmem:s26+$0x97E0]  }
.LBB2_9:
0xbc: {  	p0 =	sne.s32 s29, $0xC000;
	v7 =	vld [tilespmem:s28+$0x97F0];
	[tilespmem:s26+$0xFB80] =	vst v5;
	v0 =	vmul.f32 $8.000000000e+00, v0  }
0xbd: {  	v5 =	vld [tilespmem:s28+$0x9600];
	[tilespmem:s26+$0xFB90] =	vst v6;
	v1 =	vmul.f32 $8.000000000e+00, v1  }
0xbe: {  	v6 =	vld [tilespmem:s28+$0x9610];
	[tilespmem:s26+$0xFBA0] =	vst v0;
	v0 =	vmul.f32 $8.000000000e+00, v2  }
0xbf: {  	v2 =	vld [tilespmem:s28+$0x9620];
	[tilespmem:s26+$0xFBB0] =	vst v1;
	v1 =	vmul.f32 $8.000000000e+00, v3  }
0xc0: {  	v3 =	vld [tilespmem:s28+$0x9630];
	[tilespmem:s26+$0xFBC0] =	vst v0;
	v0 =	vmul.f32 $8.000000000e+00, v4  }
0xc1: {  	v4 =	vld [tilespmem:s28+$0x9640];
	v7 =	vmul.f32 $8.000000000e+00, v7;
	[tilespmem:s26+$0xFBD0] =	vst v1  }
0xc2: {  	v1 =	vmul.f32 $8.000000000e+00, v5;
	v5 =	vld [tilespmem:s28+$0x9650];
	[tilespmem:s26+$0xFBE0] =	vst v0;
	s26 =	smov.u32 s28  }
0xc3: {  	v0 =	vmul.f32 $8.000000000e+00, v6;
	v6 =	vld [tilespmem:s26+$0x9660];
	[tilespmem:s26+$0xFBF0] =	vst v7  }
0xc4: {  	[tilespmem:s26+$0xFA00] =	vst v1;
	v1 =	vmul.f32 $8.000000000e+00, v2;
	v2 =	vld [tilespmem:s26+$0x9670]  }
0xc5: {  	[tilespmem:s26+$0xFA10] =	vst v0;
	v0 =	vmul.f32 $8.000000000e+00, v3;
	v3 =	vld [tilespmem:s26+$0x9680]  }
0xc6: {  	[tilespmem:s26+$0xFA20] =	vst v1;
	v1 =	vmul.f32 $8.000000000e+00, v4;
	v4 =	vld [tilespmem:s26+$0x9690]  }
0xc7: {  	[tilespmem:s26+$0xFA30] =	vst v0;
	v0 =	vmul.f32 $8.000000000e+00, v5;
	v5 =	vld [tilespmem:s26+$0x96A0]  }
0xc8: {  	[tilespmem:s26+$0xFA40] =	vst v1;
	v1 =	vmul.f32 $8.000000000e+00, v6;
	v6 =	vld [tilespmem:s26+$0x96B0]  }
0xc9: {  	[tilespmem:s26+$0xFA50] =	vst v0;
	v0 =	vmul.f32 $8.000000000e+00, v2;
	v2 =	vld [tilespmem:s26+$0x96C0]  }
0xca: {  	[tilespmem:s26+$0xFA60] =	vst v1;
	v1 =	vmul.f32 $8.000000000e+00, v3;
	v3 =	vld [tilespmem:s26+$0x96D0]  }
0xcb: {  	[tilespmem:s26+$0xFA70] =	vst v0;
	v0 =	vmul.f32 $8.000000000e+00, v4;
	v4 =	vld [tilespmem:s26+$0x96E0]  }
0xcc: {  	[tilespmem:s26+$0xFA80] =	vst v1;
	v1 =	vmul.f32 $8.000000000e+00, v5;
	v5 =	vld [tilespmem:s26+$0x96F0]  }
0xcd: {  	[tilespmem:s26+$0xFA90] =	vst v0;
	v0 =	vmul.f32 $8.000000000e+00, v6;
	v6 =	vld [tilespmem:s26+$0x9700]  }
0xce: {  	[tilespmem:s26+$0xFAA0] =	vst v1;
	v1 =	vmul.f32 $8.000000000e+00, v2;
	v2 =	vld [tilespmem:s26+$0x9710]  }
0xcf: {  	[tilespmem:s26+$0xFAB0] =	vst v0;
	v0 =	vmul.f32 $8.000000000e+00, v3;
	v3 =	vld [tilespmem:s26+$0x9720]  }
0xd0: {  	[tilespmem:s26+$0xFAC0] =	vst v1;
	v1 =	vmul.f32 $8.000000000e+00, v4;
	v4 =	vld [tilespmem:s26+$0x9730]  }
0xd1: {  	[tilespmem:s26+$0xFAD0] =	vst v0;
	v0 =	vmul.f32 $8.000000000e+00, v5;
	v5 =	vld [tilespmem:s26+$0x9740]  }
0xd2: {  	[tilespmem:s26+$0xFAE0] =	vst v1;
	v1 =	vmul.f32 $8.000000000e+00, v6;
	v6 =	vld [tilespmem:s26+$0x9750]  }
0xd3: {  	[tilespmem:s26+$0xFAF0] =	vst v0;
	v0 =	vmul.f32 $8.000000000e+00, v2;
	v2 =	vld [tilespmem:s26+$0x9760]  }
0xd4: {  	[tilespmem:s26+$0xFB00] =	vst v1;
	v1 =	vmul.f32 $8.000000000e+00, v3;
	v3 =	vld [tilespmem:s26+$0x9770]  }
0xd5: {  	[tilespmem:s26+$0xFB10] =	vst v0;
	v0 =	vmul.f32 $8.000000000e+00, v4;
	v4 =	vld [tilespmem:s26+$0x9780]  }
0xd6: {  	[tilespmem:s26+$0xFB20] =	vst v1;
	v1 =	vmul.f32 $8.000000000e+00, v5;
	v7 =	vld [tilespmem:s26+$0x9790]  }
.Ltmp4:
0xd7: {  	[tilespmem:s26+$0xFB30] =	vst v0;
	v5 =	vmul.f32 $8.000000000e+00, v6;
	v0 =	vld [tilespmem:s26+$0x97A0];
	(pc) =	sbr.rel @p0 .LBB2_9-.Ltmp4, $4  }
0xd8: {  	[tilespmem:s26+$0xFB40] =	vst v1;
	v6 =	vmul.f32 $8.000000000e+00, v2;
	v1 =	vld [tilespmem:s26+$0x97B0]  }
0xd9: {  	[tilespmem:s26+$0xFB50] =	vst v5;
	v8 =	vmul.f32 $8.000000000e+00, v3;
	v2 =	vld [tilespmem:s26+$0x97C0]  }
0xda: {  	[tilespmem:s26+$0xFB60] =	vst v6;
	v5 =	vmul.f32 $8.000000000e+00, v4;
	v3 =	vld [tilespmem:s26+$0x97D0]  }
0xdb: {  	s28 =	sshra.s32 s29, $0x2;
	s29 =	sadd.s32 $0x800, s29;
	[tilespmem:s26+$0xFB70] =	vst v8;
	v6 =	vmul.f32 $8.000000000e+00, v7;
	v4 =	vld [tilespmem:s26+$0x97E0]  }
0xdc: {  	v7 =	vld [tilespmem:s28+$0x97F0];
	[tilespmem:s26+$0xFB80] =	vst v5;
	v0 =	vmul.f32 $8.000000000e+00, v0  }
0xdd: {  	v5 =	vld [tilespmem:s28+$0x9600];
	[tilespmem:s26+$0xFB90] =	vst v6;
	v1 =	vmul.f32 $8.000000000e+00, v1  }
0xde: {  	v6 =	vld [tilespmem:s28+$0x9610];
	[tilespmem:s26+$0xFBA0] =	vst v0;
	v2 =	vmul.f32 $8.000000000e+00, v2  }
0xdf: {  	v0 =	vld [tilespmem:s28+$0x9620];
	[tilespmem:s26+$0xFBB0] =	vst v1;
	v3 =	vmul.f32 $8.000000000e+00, v3  }
0xe0: {  	v1 =	vld [tilespmem:s28+$0x9630];
	[tilespmem:s26+$0xFBC0] =	vst v2;
	v4 =	vmul.f32 $8.000000000e+00, v4  }
0xe1: {  	v2 =	vld [tilespmem:s28+$0x9640];
	[tilespmem:s26+$0xFBD0] =	vst v3;
	v7 =	vmul.f32 $8.000000000e+00, v7  }
0xe2: {  	v3 =	vld [tilespmem:s28+$0x9650];
	[tilespmem:s26+$0xFBE0] =	vst v4;
	v32 =	vmul.f32 $8.000000000e+00, v5  }
0xe3: {  	v33 =	vld [tilespmem:s28+$0x9660];
	[tilespmem:s28+$0xFBF0] =	vst v7;
	v6 =	vmul.f32 $8.000000000e+00, v6  }
0xe4: {  	v34 =	vld [tilespmem:s28+$0x9670];
	[tilespmem:s28+$0xFA00] =	vst v32;
	v0 =	vmul.f32 $8.000000000e+00, v0  }
0xe5: {  	v35 =	vld [tilespmem:s28+$0x9680];
	[tilespmem:s28+$0xFA10] =	vst v6;
	v1 =	vmul.f32 $8.000000000e+00, v1  }
0xe6: {  	v36 =	vld [tilespmem:s28+$0x9690];
	[tilespmem:s28+$0xFA20] =	vst v0;
	v2 =	vmul.f32 $8.000000000e+00, v2  }
0xe7: {  	v37 =	vld [tilespmem:s28+$0x96A0];
	[tilespmem:s28+$0xFA30] =	vst v1;
	v3 =	vmul.f32 $8.000000000e+00, v3  }
0xe8: {  	v38 =	vld [tilespmem:s28+$0x96B0];
	[tilespmem:s28+$0xFA40] =	vst v2;
	v5 =	vmul.f32 $8.000000000e+00, v33  }
0xe9: {  	v52 =	vld [tilespmem:s28+$0x9790];
	v4 =	vmul.f32 $8.000000000e+00, v34;
	[tilespmem:s28+$0xFA50] =	vst v3  }
0xea: {  	v53 =	vld [tilespmem:s28+$0x97A0];
	v6 =	vmul.f32 $8.000000000e+00, v35;
	[tilespmem:s28+$0xFA60] =	vst v5  }
0xeb: {  	v54 =	vld [tilespmem:s28+$0x97B0];
	v0 =	vmul.f32 $8.000000000e+00, v36;
	[tilespmem:s28+$0xFA70] =	vst v4  }
0xec: {  	v55 =	vld [tilespmem:s28+$0x97C0];
	v1 =	vmul.f32 $8.000000000e+00, v37;
	[tilespmem:s28+$0xFA80] =	vst v6  }
0xed: {  	v56 =	vld [tilespmem:s28+$0x97D0];
	v2 =	vmul.f32 $8.000000000e+00, v38;
	[tilespmem:s28+$0xFA90] =	vst v0  }
0xee: {  	v58 =	vld [tilespmem:s28+$0x97E0];
	v57 =	vmul.f32 $8.000000000e+00, v52;
	[tilespmem:s28+$0xFAA0] =	vst v1  }
0xef: {  	v39 =	vld [tilespmem:s28+$0x96C0];
	v59 =	vmul.f32 $8.000000000e+00, v53;
	[tilespmem:s28+$0xFAB0] =	vst v2  }
0xf0: {  	v40 =	vld [tilespmem:s28+$0x96D0];
	v60 =	vmul.f32 $8.000000000e+00, v54;
	[tilespmem:s28+$0xFB90] =	vst v57  }
0xf1: {  	v41 =	vld [tilespmem:s28+$0x96E0];
	v61 =	vmul.f32 $8.000000000e+00, v55;
	[tilespmem:s28+$0xFBA0] =	vst v59  }
0xf2: {  	v42 =	vld [tilespmem:s28+$0x96F0];
	v62 =	vmul.f32 $8.000000000e+00, v56;
	[tilespmem:s28+$0xFBB0] =	vst v60  }
0xf3: {  	v43 =	vld [tilespmem:s28+$0x9700];
	v63 =	vmul.f32 $8.000000000e+00, v58;
	[tilespmem:s28+$0xFBC0] =	vst v61  }
0xf4: {  	v44 =	vld [tilespmem:s28+$0x9710];
	v3 =	vmul.f32 $8.000000000e+00, v39;
	[tilespmem:s28+$0xFBD0] =	vst v62  }
0xf5: {  	v45 =	vld [tilespmem:s28+$0x9720];
	v5 =	vmul.f32 $8.000000000e+00, v40;
	[tilespmem:s28+$0xFBE0] =	vst v63  }
0xf6: {  	v46 =	vld [tilespmem:s28+$0x9730];
	v4 =	vmul.f32 $8.000000000e+00, v41;
	[tilespmem:s28+$0xFAC0] =	vst v3  }
0xf7: {  	v47 =	vld [tilespmem:s28+$0x9740];
	v6 =	vmul.f32 $8.000000000e+00, v42;
	[tilespmem:s28+$0xFAD0] =	vst v5  }
0xf8: {  	v48 =	vld [tilespmem:s28+$0x9750];
	v0 =	vmul.f32 $8.000000000e+00, v43;
	[tilespmem:s28+$0xFAE0] =	vst v4  }
0xf9: {  	v49 =	vld [tilespmem:s28+$0x9760];
	v1 =	vmul.f32 $8.000000000e+00, v44;
	[tilespmem:s28+$0xFAF0] =	vst v6  }
0xfa: {  	v50 =	vld [tilespmem:s28+$0x9770];
	v2 =	vmul.f32 $8.000000000e+00, v45;
	[tilespmem:s28+$0xFB00] =	vst v0  }
0xfb: {  	v51 =	vld [tilespmem:s28+$0x9780];
	v3 =	vmul.f32 $8.000000000e+00, v46;
	[tilespmem:s28+$0xFB10] =	vst v1  }
0xfc: {  	[tilespmem:s28+$0xFB20] =	vst v2;
	v5 =	vmul.f32 $8.000000000e+00, v47  }
0xfd: {  	s23 =	sadd.s32 $0x1, s23;
	v4 =	vmul.f32 $8.000000000e+00, v48;
	[tilespmem:s28+$0xFB30] =	vst v3  }
0xfe: {  	s25 =	smul.u32 $0x19000, s25;
	s24 =	sshll.u32 s24, $0x7;
	p0 =	sne.s32 s23, $0x40;
	v6 =	vmul.f32 $8.000000000e+00, v49;
	[tilespmem:s28+$0xFB40] =	vst v5  }
.Ltmp5:
0xff: {  	s24 =	sand.u32 $0x380, s24;
	v0 =	vmul.f32 $8.000000000e+00, v50;
	[tilespmem:s28+$0xFB50] =	vst v4;
	(pc) =	sbr.rel @p0 .LBB2_2-.Ltmp5, $4  }
0x100: {  	s24 =	sor.u32 s24, s25;
	v1 =	vmul.f32 $8.000000000e+00, v51;
	[tilespmem:s28+$0xFB60] =	vst v6  }
0x101: {  	s24 =	sshrl.u32 s24, $0x3;
	[tilespmem:s28+$0xFB70] =	vst v0  }
0x102: {  	s24 =	sadd.s32 s2, s24;
	[tilespmem:s28+$0xFB80] =	vst v1  }
0x103: {  	[hbm4b:s24+s9] =	stream.strided.scatter [tilespmem:s20], [sflag:$0x4], $0x3200, s16, s9, $0x38;
	[tilespmem:$0x12C00] =	vst v63  }
0x104: {  	s22 =	sadd.s32 $0x1, s22  }
0x105: {  	_ =	swait.ge [sflag:s21], $0x3200;
	p0 =	sne.s32 s22, s7  }
.Ltmp6:
0x106: {  	[sflag:s21] =	ssyncset.done $0x0;
	(pc) =	sbr.rel @p0 .LBB2_1-.Ltmp6, $4  }
0x107: {  	[sflag:s21] =	ssyncadd.s32 $0xFFFFCE00  }
0x108: {  	_ =	swait.ge [sflag:s19], $0x3200  }
0x109: {  	[sflag:s19] =	ssyncset.done $0x0  }
0x10a: {  	[sflag:s19] =	ssyncadd.s32 $0xFFFFCE00  }
0x10b: {  	_ =	sfence.sel $0x180000  }
0x10c: {  	[bflag:$0x0] =	sbarrier.arrive $0xFFFF  }
0x10d: {  	p0 =	sne.s32 s1, $0x0;
	_ =	strace $0x90000047  }
0x10e: {  	s0 =	sadd.s32 @!p0 $0x100000, s0;
	[bflag:$0x2] =	sbarrier.arrive $0xFFFF  }
0x10f: {  	[sflag:s0] =	ssyncadd.tile.s32 @!p0 $0x1;
	_ =	shalt  }
.Lfunc_end2:
_tile_overlayer_lowered:
.L_overlay_start_2:
0x110: {  	(tag) =	ssettag $0x2  }
0x111: {  	s0 =	rddreg [dreg:$0x0];
	s2 =	stileid.u32  }
0x112: {  	s1 =	rddreg [dreg:$0x1];
	p0 =	sne.s32 s2, $0x0  }
0x113: {  	s3 =	rddreg [dreg:$0x2];
	[bflag:$0x3] =	sbarrier.arrive $0xFFFF;
	s2 =	simm.s32 @!p0 $0x1C05  }
0x114: {  	[timem:s3], [sflag:s2] =	dma.local @!p0 [hbm:s0], s1  }
0x115: {  	s0 =	simm.s32 @!p0 $0x5  }
0x116: {  	_ =	swait.ge @!p0 [sflag:s0], s1  }
0x117: {  	s1 =	ssub.s32 @!p0 $0x0, s1;
	[sflag:s0] =	ssyncset.done @!p0 $0x0  }
0x118: {  	[sflag:s0] =	ssyncadd.s32 @!p0 s1  }
0x119: {  	[bflag:$0x3] =	sbarrier.arrive $0xFFFF  }
0x11a: {  	_ =	shalt  }

</sc_bundles>
